<compile_context>
chip_gen: v7x
topology: tpu7x:2x2x1
jax: 0.10.2.dev20260603
libtpu: 0.0.44.dev20260713+nightly
codegen_flags: <defaults>
</compile_context>

<pallas_src>
import functools

import jax
import jax.numpy as jnp
from jax import lax
from jax.experimental import pallas as pl
from jax.experimental.pallas import tpu as pltpu
from jax.experimental.pallas import tpu_sc as plsc

NC = 2
NS = 16
NW = NC * NS

W = 96
STEPS = 86
PAIRS = STEPS // 2
ROWS_W = W * STEPS


def _sc_fused(ridx, pe2, seq_r, total_rows):
    mesh = plsc.VectorSubcoreMesh(core_axis_name="c", subcore_axis_name="s")

    @functools.partial(
        pl.kernel,
        out_type=[
            jax.ShapeDtypeStruct((total_rows, 128), jnp.float32),
            jax.ShapeDtypeStruct((total_rows, 128), jnp.float32),
        ],
        mesh=mesh,
        scratch_types=[
            pltpu.VMEM_SHARED((10000, 128), jnp.float32),
            pltpu.VMEM((4 * W,), jnp.int32),
            pltpu.VMEM((2, W, 128), jnp.float32),
            pltpu.VMEM((2, W, 128), jnp.float32),
            pltpu.SemaphoreType.DMA,
            pltpu.SemaphoreType.DMA,
            pltpu.SemaphoreType.DMA,
            pltpu.SemaphoreType.DMA,
            pltpu.SemaphoreType.DMA,
            pltpu.SemaphoreType.DMA,
            pltpu.SemaphoreType.DMA,
            pltpu.SemaphoreType.DMA,
            pltpu.SemaphoreType.DMA,
        ],
    )
    def k(ridx_hbm, pe_hbm, seq_hbm, out_hbm, ie_hbm,
          pe_sh, idx_v, g_v, s_v,
          isem, g0, g1, s0, s1, o0, o1, e0, e1):
        wid = lax.axis_index("s") * NC + lax.axis_index("c")
        start = pl.multiple_of(
            jnp.minimum(wid * 8192, total_rows - ROWS_W), 32)
        gsem = (g0, g1)
        ssem = (s0, s1)
        osem = (o0, o1)
        esem = (e0, e1)

        sid = lax.axis_index("s")

        @pl.when(sid < 15)
        def _():
            pltpu.sync_copy(pe_hbm.at[pl.ds(sid * 640, 640)],
                            pe_sh.at[pl.ds(sid * 640, 640)])

        @pl.when(sid == 15)
        def _():
            pltpu.sync_copy(pe_hbm.at[pl.ds(9600, 400)],
                            pe_sh.at[pl.ds(9600, 400)])

        pltpu.sync_copy(ridx_hbm.at[pl.ds(start, 2 * W)],
                        idx_v.at[pl.ds(0, 2 * W)])
        plsc.subcore_barrier()

        def load_step(s, b, sl, half):
            r0 = start + s * W
            gd = pltpu.async_copy(
                pe_sh.at[idx_v.at[pl.ds(sl * 2 * W + half * W, W)]],
                g_v.at[b], gsem[b])
            sd = pltpu.async_copy(seq_hbm.at[pl.ds(r0, W)], s_v.at[b],
                                  ssem[b])
            return gd, sd

        def compute(b):
            def body(q, carry):
                for u in range(4):
                    r = 4 * q + u
                    for j in range(8):
                        sl = pl.ds(j * 16, 16)
                        plsc.addupdate(s_v.at[b, r, sl], g_v[b, r, sl])
                return carry
            lax.fori_loop(0, W // 4, body, 0)

        def write_ie(s, b):
            r0 = start + s * W
            pltpu.async_copy(g_v.at[b], ie_hbm.at[pl.ds(r0, W)], esem[b])

        def write_out(s, b):
            r0 = start + s * W
            pltpu.async_copy(s_v.at[b], out_hbm.at[pl.ds(r0, W)], osem[b])

        def drain_writes(b):
            pltpu.make_async_copy(out_hbm.at[pl.ds(0, W)], s_v.at[b],
                                  osem[b]).wait()
            pltpu.make_async_copy(ie_hbm.at[pl.ds(0, W)], g_v.at[b],
                                  esem[b]).wait()

        def pair(i, carry):
            st = 2 * i
            sl = pl.multiple_of(jnp.bitwise_and(i, 1), 1)

            @pl.when(i > 0)
            def _():
                pltpu.make_async_copy(ridx_hbm.at[pl.ds(0, 2 * W)],
                                      idx_v.at[pl.ds(0, 2 * W)],
                                      isem).wait()

            @pl.when(i < PAIRS - 1)
            def _():
                pltpu.async_copy(
                    ridx_hbm.at[pl.ds(start + (st + 2) * W, 2 * W)],
                    idx_v.at[pl.ds((1 - sl) * 2 * W, 2 * W)], isem)

            @pl.when(i > 0)
            def _():
                drain_writes(0)
            gd0, sd0 = load_step(st, 0, sl, 0)

            @pl.when(i > 0)
            def _():
                drain_writes(1)
            gd1, sd1 = load_step(st + 1, 1, sl, 1)

            gd0.wait()
            write_ie(st, 0)
            sd0.wait()
            compute(0)
            write_out(st, 0)

            gd1.wait()
            write_ie(st + 1, 1)
            sd1.wait()
            compute(1)
            write_out(st + 1, 1)
            return carry

        lax.fori_loop(0, PAIRS, pair, 0)
        drain_writes(0)
        drain_writes(1)

    return k(ridx, pe2, seq_r)


def kernel(seq, coords, seq_id, pe):
    B, L1, D = seq.shape
    total_rows = L1 * 8 * B

    quad_body = jnp.concatenate([coords, seq_id[:, :, None]], axis=-1)
    quad = jnp.concatenate(
        [jnp.zeros((B, 1, 4), jnp.int32), quad_body], axis=1)
    a = quad.transpose(1, 0, 2)
    a = jnp.repeat(a, 2, axis=2) * 2 + jnp.tile(
        jnp.array([0, 1], jnp.int32), 4)
    ridx = a.transpose(0, 2, 1).reshape(-1)

    pe2 = pe[0].reshape(5000 * 2, 128)
    seq_r = seq.reshape(B, L1, 8, 128).transpose(1, 2, 0, 3).reshape(
        total_rows, 128)

    out2, ie2 = _sc_fused(ridx, pe2, seq_r, total_rows)

    def unphys(x):
        return x.reshape(L1, 8, B, 128).transpose(2, 0, 1, 3).reshape(
            B, L1, D)

    return (unphys(out2), unphys(ie2))

# --- scband reference (transcript-rebuilt; emitter-appended) ---
"""Pipeline reference for scband-multi-subj-brain-positional-encoding-65807488909479 (READ-ONLY COPY).

The authoritative reference and input builder live on the scoring server;
editing this copy changes nothing except your own understanding.
"""

import jax, jax.numpy as jnp
import numpy as np
import math

D_MODEL = 1024
MAX_LEN = 5000
PE_DIM = D_MODEL // 4
B = 4
L = 8192


def _build_pe():
    pe = np.zeros((MAX_LEN, PE_DIM), dtype=np.float32)
    position = np.arange(0, MAX_LEN, dtype=np.float32)[:, None]
    div_term = np.exp(np.arange(0, PE_DIM, 2, dtype=np.float32) * (-math.log(10000.0) / PE_DIM))
    pe[:, 0::2] = np.sin(position * div_term)
    pe[:, 1::2] = np.cos(position * div_term)
    return jnp.asarray(pe)[None, :, :]  # [1, max_len, pe_dim]


def setup_inputs(seed: int = 0) -> dict:
    key = jax.random.key(seed)
    k1, k2, k3 = jax.random.split(key, 3)
    seq = jax.random.normal(k1, (B, L + 1, D_MODEL), dtype=jnp.float32)
    coords = jax.random.randint(k2, (B, L, 3), 0, MAX_LEN, dtype=jnp.int64 if jax.config.jax_enable_x64 else jnp.int32).astype(jnp.int32)
    seq_id = jax.random.randint(k3, (B, L), 0, MAX_LEN, dtype=jnp.int64 if jax.config.jax_enable_x64 else jnp.int32).astype(jnp.int32)
    pe = _build_pe()
    return {"seq": seq, "coords": coords, "seq_id": seq_id, "pe": pe}


def reference(seq, coords, seq_id, pe):
    # p_embed = pe[0, coords] -> gather [B, L, 3, pe_dim]
    p_embed = jnp.take(pe[0], coords, axis=0)
    n_batch, seq_len, n_axes, d_p = p_embed.shape
    p_embed = p_embed.reshape(n_batch, seq_len, n_axes * d_p)
    sid = jnp.take(pe[0], seq_id, axis=0)  # [B, L, pe_dim]
    input_embeddings = jnp.concatenate([p_embed, sid], axis=-1)  # [B, L, d_model]
    batch_size = seq.shape[0]
    # torch: pe[0,0].repeat(batch_size, 4) tiles the [pe_dim] vector -> [batch, 4*pe_dim]
    cls_embed = jnp.tile(pe[0, 0], (batch_size, 4))[:, None, :]  # [B, 1, d_model]
    input_embeddings = jnp.concatenate([cls_embed, input_embeddings], axis=1)  # [B, L+1, d_model]
    out = seq + input_embeddings
    return (out, input_embeddings)

if __name__ == "__main__":
    import jax
    _d = setup_inputs()
    print(jax.jit(kernel)(*tuple(_d.values())))

</pallas_src>

<mosaic_0001>
#map = affine_map<(d0, d1) -> (0)>
#map1 = affine_map<(d0, d1) -> (0, 0)>
module attributes {stable_mosaic.version = 14 : i64} {
  func.func @k(%arg0: i32, %arg1: i32, %arg2: memref<262176xi32, #tpu.memory_space<hbm>>, %arg3: memref<10000x128xf32, #tpu.memory_space<hbm>>, %arg4: memref<262176x128xf32, #tpu.memory_space<hbm>>, %arg5: memref<262176x128xf32, #tpu.memory_space<hbm>>, %arg6: memref<262176x128xf32, #tpu.memory_space<hbm>>, %arg7: memref<10000x128xf32, #tpu.memory_space<vmem_shared>>, %arg8: memref<384xi32, #tpu.memory_space<vmem>>, %arg9: memref<2x96x128xf32, #tpu.memory_space<vmem>>, %arg10: memref<2x96x128xf32, #tpu.memory_space<vmem>>, %arg11: memref<!tpu.dma_semaphore, #tpu.memory_space<semaphore_mem>>, %arg12: memref<!tpu.dma_semaphore, #tpu.memory_space<semaphore_mem>>, %arg13: memref<!tpu.dma_semaphore, #tpu.memory_space<semaphore_mem>>, %arg14: memref<!tpu.dma_semaphore, #tpu.memory_space<semaphore_mem>>, %arg15: memref<!tpu.dma_semaphore, #tpu.memory_space<semaphore_mem>>, %arg16: memref<!tpu.dma_semaphore, #tpu.memory_space<semaphore_mem>>, %arg17: memref<!tpu.dma_semaphore, #tpu.memory_space<semaphore_mem>>, %arg18: memref<!tpu.dma_semaphore, #tpu.memory_space<semaphore_mem>>, %arg19: memref<!tpu.dma_semaphore, #tpu.memory_space<semaphore_mem>>) attributes {dimension_semantics = [#tpu.dimension_semantics<core_parallel>, #tpu.dimension_semantics<subcore_parallel>], iteration_bounds = array<i64: 2, 16>, scalar_prefetch = 0 : i64, scratch_operands = 13 : i64, tpu.core_type = #tpu.core_type<sc_vector_subcore>, window_params = [{transform_indices = #map}, {transform_indices = #map1}, {transform_indices = #map1}, {transform_indices = #map1}, {transform_indices = #map1}]} {
    %mul3A = arith.constant 2 : i32
    %mul3A_0 = arith.muli %arg1, %mul3A : i32
    %add3A = arith.addi %mul3A_0, %arg0 : i32
    %mul3A_1 = arith.constant 8192 : i32
    %mul3A_2 = arith.muli %add3A, %mul3A_1 : i32
    %min3A = arith.constant 253920 : i32
    %min3A_3 = arith.minsi %mul3A_2, %min3A : i32
    %multiple_of3A = tpu.assume_multiple %min3A_3, 32 : i32
    %lt3A = arith.constant 15 : i32
    %lt3A_4 = arith.cmpi slt, %arg1, %lt3A : i32
    %convert_element_type3A = arith.extui %lt3A_4 : i1 to i32
    %cond3A = arith.constant 0 : i32
    %cond3A_5 = arith.cmpi ne, %convert_element_type3A, %cond3A : i32
    scf.if %cond3A_5 {
      %mul3A_74 = arith.constant 640 : i32
      %mul3A_75 = arith.muli %arg1, %mul3A_74 : i32
      %mul3A_76 = arith.constant 640 : i32
      %mul3A_77 = arith.muli %arg1, %mul3A_76 : i32
      "tpu.region"() ({
        %run_scoped3A = tpu.sem_alloc : memref<!tpu.dma_semaphore, #tpu.memory_space<semaphore_mem>>
        %dma_start3A = arith.constant 0 : i32
        %dma_start3A_78 = tpu.memref_slice %arg7[%mul3A_77, %dma_start3A] : memref<10000x128xf32, #tpu.memory_space<vmem_shared>> -> memref<640x128xf32, #tpu.memory_space<vmem_shared>>
        %dma_start3A_79 = arith.constant 0 : i32
        %dma_start3A_80 = tpu.memref_slice %arg3[%mul3A_75, %dma_start3A_79] : memref<10000x128xf32, #tpu.memory_space<hbm>> -> memref<640x128xf32, #tpu.memory_space<hbm>>
        tpu.enqueue_dma source(%dma_start3A_80 : memref<640x128xf32, #tpu.memory_space<hbm>>) target(%dma_start3A_78 : memref<640x128xf32, #tpu.memory_space<vmem_shared>>) target_semaphore(%run_scoped3A : memref<!tpu.dma_semaphore, #tpu.memory_space<semaphore_mem>>)
        %dma_wait3A_81 = arith.constant 0 : i32
        %dma_wait3A_82 = tpu.memref_slice %arg7[%mul3A_77, %dma_wait3A_81] : memref<10000x128xf32, #tpu.memory_space<vmem_shared>> -> memref<640x128xf32, #tpu.memory_space<vmem_shared>>
        %dma_wait3A_83 = arith.constant 0 : i32
        %dma_wait3A_84 = tpu.memref_slice %arg3[%mul3A_75, %dma_wait3A_83] : memref<10000x128xf32, #tpu.memory_space<hbm>> -> memref<640x128xf32, #tpu.memory_space<hbm>>
        tpu.wait_dma2 semaphore(%run_scoped3A : memref<!tpu.dma_semaphore, #tpu.memory_space<semaphore_mem>>) src(%dma_wait3A_84 : memref<640x128xf32, #tpu.memory_space<hbm>>) dst(%dma_wait3A_82 : memref<640x128xf32, #tpu.memory_space<vmem_shared>>)
        tpu.yield
      }) : () -> ()
    } else {
    }
    %eq3A = arith.constant 15 : i32
    %eq3A_6 = arith.cmpi eq, %arg1, %eq3A : i32
    %convert_element_type3A_7 = arith.extui %eq3A_6 : i1 to i32
    %cond3A_8 = arith.constant 0 : i32
    %cond3A_9 = arith.cmpi ne, %convert_element_type3A_7, %cond3A_8 : i32
    scf.if %cond3A_9 {
      "tpu.region"() ({
        %run_scoped3A = tpu.sem_alloc : memref<!tpu.dma_semaphore, #tpu.memory_space<semaphore_mem>>
        %dma_start3A = arith.constant 9600 : i32
        %dma_start3A_74 = arith.constant 0 : i32
        %dma_start3A_75 = tpu.memref_slice %arg7[%dma_start3A, %dma_start3A_74] : memref<10000x128xf32, #tpu.memory_space<vmem_shared>> -> memref<400x128xf32, #tpu.memory_space<vmem_shared>>
        %dma_start3A_76 = arith.constant 9600 : i32
        %dma_start3A_77 = arith.constant 0 : i32
        %dma_start3A_78 = tpu.memref_slice %arg3[%dma_start3A_76, %dma_start3A_77] : memref<10000x128xf32, #tpu.memory_space<hbm>> -> memref<400x128xf32, #tpu.memory_space<hbm>>
        tpu.enqueue_dma source(%dma_start3A_78 : memref<400x128xf32, #tpu.memory_space<hbm>>) target(%dma_start3A_75 : memref<400x128xf32, #tpu.memory_space<vmem_shared>>) target_semaphore(%run_scoped3A : memref<!tpu.dma_semaphore, #tpu.memory_space<semaphore_mem>>)
        %dma_wait3A_79 = arith.constant 9600 : i32
        %dma_wait3A_80 = arith.constant 0 : i32
        %dma_wait3A_81 = tpu.memref_slice %arg7[%dma_wait3A_79, %dma_wait3A_80] : memref<10000x128xf32, #tpu.memory_space<vmem_shared>> -> memref<400x128xf32, #tpu.memory_space<vmem_shared>>
        %dma_wait3A_82 = arith.constant 9600 : i32
        %dma_wait3A_83 = arith.constant 0 : i32
        %dma_wait3A_84 = tpu.memref_slice %arg3[%dma_wait3A_82, %dma_wait3A_83] : memref<10000x128xf32, #tpu.memory_space<hbm>> -> memref<400x128xf32, #tpu.memory_space<hbm>>
        tpu.wait_dma2 semaphore(%run_scoped3A : memref<!tpu.dma_semaphore, #tpu.memory_space<semaphore_mem>>) src(%dma_wait3A_84 : memref<400x128xf32, #tpu.memory_space<hbm>>) dst(%dma_wait3A_81 : memref<400x128xf32, #tpu.memory_space<vmem_shared>>)
        tpu.yield
      }) : () -> ()
    } else {
    }
    "tpu.region"() ({
      %run_scoped3A = tpu.sem_alloc : memref<!tpu.dma_semaphore, #tpu.memory_space<semaphore_mem>>
      %dma_start3A = arith.constant 0 : i32
      %dma_start3A_74 = tpu.memref_slice %arg8[%dma_start3A] : memref<384xi32, #tpu.memory_space<vmem>> -> memref<192xi32, #tpu.memory_space<vmem>>
      %dma_start3A_75 = tpu.memref_slice %arg2[%multiple_of3A] : memref<262176xi32, #tpu.memory_space<hbm>> -> memref<192xi32, #tpu.memory_space<hbm>>
      %dma_start3A_76 = arith.constant 0 : i32
      %dma_start3A_77 = tpu.memref_slice %arg8[%dma_start3A_76] : memref<384xi32, #tpu.memory_space<vmem>> -> memref<192xi32, #tpu.memory_space<vmem>>
      %dma_start3A_78 = tpu.memref_slice %arg2[%multiple_of3A] : memref<262176xi32, #tpu.memory_space<hbm>> -> memref<192xi32, #tpu.memory_space<hbm>>
      tpu.enqueue_dma source(%dma_start3A_78 : memref<192xi32, #tpu.memory_space<hbm>>) target(%dma_start3A_77 : memref<192xi32, #tpu.memory_space<vmem>>) target_semaphore(%run_scoped3A : memref<!tpu.dma_semaphore, #tpu.memory_space<semaphore_mem>>)
      %dma_wait3A_79 = arith.constant 0 : i32
      %dma_wait3A_80 = tpu.memref_slice %arg8[%dma_wait3A_79] : memref<384xi32, #tpu.memory_space<vmem>> -> memref<192xi32, #tpu.memory_space<vmem>>
      %dma_wait3A_81 = tpu.memref_slice %arg2[%multiple_of3A] : memref<262176xi32, #tpu.memory_space<hbm>> -> memref<192xi32, #tpu.memory_space<hbm>>
      %dma_wait3A_82 = arith.constant 0 : i32
      %dma_wait3A_83 = tpu.memref_slice %arg8[%dma_wait3A_82] : memref<384xi32, #tpu.memory_space<vmem>> -> memref<192xi32, #tpu.memory_space<vmem>>
      %dma_wait3A_84 = tpu.memref_slice %arg2[%multiple_of3A] : memref<262176xi32, #tpu.memory_space<hbm>> -> memref<192xi32, #tpu.memory_space<hbm>>
      tpu.wait_dma2 semaphore(%run_scoped3A : memref<!tpu.dma_semaphore, #tpu.memory_space<semaphore_mem>>) src(%dma_wait3A_84 : memref<192xi32, #tpu.memory_space<hbm>>) dst(%dma_wait3A_83 : memref<192xi32, #tpu.memory_space<vmem>>)
      tpu.yield
    }) : () -> ()
    %barrier3A = arith.constant 0 : index
    tpu.barrier barrier_id(%barrier3A)
    %scan3A = arith.constant 0 : i32
    %scan3A_10 = arith.constant 0 : i32
    %scan3A_11 = arith.constant 43 : i32
    %scan3A_12 = arith.addi %scan3A_10, %scan3A_11 : i32
    %scan3A_13 = arith.constant 1 : i32
    scf.for %scan3A_74 = %scan3A_10 to %scan3A_12 step %scan3A_13  : i32 {
      %mul3A_75 = arith.constant 2 : i32
      %mul3A_76 = arith.muli %mul3A_75, %scan3A_74 : i32
      %and3A = arith.constant 1 : i32
      %and3A_77 = arith.andi %scan3A_74, %and3A : i32
      %multiple_of3A_78 = tpu.assume_multiple %and3A_77, 1 : i32
      %gt3A = arith.constant 0 : i32
      %gt3A_79 = arith.cmpi sgt, %scan3A_74, %gt3A : i32
      %convert_element_type3A_80 = arith.extui %gt3A_79 : i1 to i32
      %cond3A_81 = arith.constant 0 : i32
      %cond3A_82 = arith.cmpi ne, %convert_element_type3A_80, %cond3A_81 : i32
      scf.if %cond3A_82 {
        %dma_wait3A_285 = arith.constant 0 : i32
        %dma_wait3A_286 = tpu.memref_slice %arg8[%dma_wait3A_285] : memref<384xi32, #tpu.memory_space<vmem>> -> memref<192xi32, #tpu.memory_space<vmem>>
        %dma_wait3A_287 = arith.constant 0 : i32
        %dma_wait3A_288 = tpu.memref_slice %arg2[%dma_wait3A_287] : memref<262176xi32, #tpu.memory_space<hbm>> -> memref<192xi32, #tpu.memory_space<hbm>>
        %dma_wait3A_289 = arith.constant 0 : i32
        %dma_wait3A_290 = tpu.memref_slice %arg8[%dma_wait3A_289] : memref<384xi32, #tpu.memory_space<vmem>> -> memref<192xi32, #tpu.memory_space<vmem>>
        %dma_wait3A_291 = arith.constant 0 : i32
        %dma_wait3A_292 = tpu.memref_slice %arg2[%dma_wait3A_291] : memref<262176xi32, #tpu.memory_space<hbm>> -> memref<192xi32, #tpu.memory_space<hbm>>
        tpu.wait_dma2 semaphore(%arg11 : memref<!tpu.dma_semaphore, #tpu.memory_space<semaphore_mem>>) src(%dma_wait3A_292 : memref<192xi32, #tpu.memory_space<hbm>>) dst(%dma_wait3A_290 : memref<192xi32, #tpu.memory_space<vmem>>)
      } else {
      }
      %lt3A_83 = arith.constant 42 : i32
      %lt3A_84 = arith.cmpi slt, %scan3A_74, %lt3A_83 : i32
      %convert_element_type3A_85 = arith.extui %lt3A_84 : i1 to i32
      %cond3A_86 = arith.constant 0 : i32
      %cond3A_87 = arith.cmpi ne, %convert_element_type3A_85, %cond3A_86 : i32
      scf.if %cond3A_87 {
        %add3A_285 = arith.constant 2 : i32
        %add3A_286 = arith.addi %mul3A_76, %add3A_285 : i32
        %mul3A_287 = arith.constant 96 : i32
        %mul3A_288 = arith.muli %add3A_286, %mul3A_287 : i32
        %add3A_289 = arith.addi %multiple_of3A, %mul3A_288 : i32
        %sub3A = arith.constant 1 : i32
        %sub3A_290 = arith.subi %sub3A, %multiple_of3A_78 : i32
        %mul3A_291 = arith.constant 2 : i32
        %mul3A_292 = arith.muli %sub3A_290, %mul3A_291 : i32
        %mul3A_293 = arith.constant 96 : i32
        %mul3A_294 = arith.muli %mul3A_292, %mul3A_293 : i32
        %dma_start3A_295 = tpu.memref_slice %arg8[%mul3A_294] : memref<384xi32, #tpu.memory_space<vmem>> -> memref<192xi32, #tpu.memory_space<vmem>>
        %dma_start3A_296 = tpu.memref_slice %arg2[%add3A_289] : memref<262176xi32, #tpu.memory_space<hbm>> -> memref<192xi32, #tpu.memory_space<hbm>>
        %dma_start3A_297 = tpu.memref_slice %arg8[%mul3A_294] : memref<384xi32, #tpu.memory_space<vmem>> -> memref<192xi32, #tpu.memory_space<vmem>>
        %dma_start3A_298 = tpu.memref_slice %arg2[%add3A_289] : memref<262176xi32, #tpu.memory_space<hbm>> -> memref<192xi32, #tpu.memory_space<hbm>>
        tpu.enqueue_dma source(%dma_start3A_298 : memref<192xi32, #tpu.memory_space<hbm>>) target(%dma_start3A_297 : memref<192xi32, #tpu.memory_space<vmem>>) target_semaphore(%arg11 : memref<!tpu.dma_semaphore, #tpu.memory_space<semaphore_mem>>)
      } else {
      }
      %gt3A_88 = arith.constant 0 : i32
      %gt3A_89 = arith.cmpi sgt, %scan3A_74, %gt3A_88 : i32
      %convert_element_type3A_90 = arith.extui %gt3A_89 : i1 to i32
      %cond3A_91 = arith.constant 0 : i32
      %cond3A_92 = arith.cmpi ne, %convert_element_type3A_90, %cond3A_91 : i32
      scf.if %cond3A_92 {
        %dma_wait3A_285 = arith.constant 0 : i32
        %dma_wait3A_286 = arith.constant 0 : i32
        %dma_wait3A_287 = arith.constant 0 : i32
        %dma_wait3A_288 = tpu.memref_slice %arg10[%dma_wait3A_285, %dma_wait3A_286, %dma_wait3A_287] : memref<2x96x128xf32, #tpu.memory_space<vmem>> -> memref<1x96x128xf32, #tpu.memory_space<vmem>>
        %dma_wait3A_289 = tpu.memref_squeeze %dma_wait3A_288 : memref<1x96x128xf32, #tpu.memory_space<vmem>> -> memref<96x128xf32, #tpu.memory_space<vmem>>
        %dma_wait3A_290 = arith.constant 0 : i32
        %dma_wait3A_291 = arith.constant 0 : i32
        %dma_wait3A_292 = tpu.memref_slice %arg5[%dma_wait3A_290, %dma_wait3A_291] : memref<262176x128xf32, #tpu.memory_space<hbm>> -> memref<96x128xf32, #tpu.memory_space<hbm>>
        %dma_wait3A_293 = arith.constant 0 : i32
        %dma_wait3A_294 = arith.constant 0 : i32
        %dma_wait3A_295 = tpu.memref_slice %arg10[%dma_wait3A_285, %dma_wait3A_293, %dma_wait3A_294] : memref<2x96x128xf32, #tpu.memory_space<vmem>> -> memref<1x96x128xf32, #tpu.memory_space<vmem>>
        %dma_wait3A_296 = tpu.memref_squeeze %dma_wait3A_295 : memref<1x96x128xf32, #tpu.memory_space<vmem>> -> memref<96x128xf32, #tpu.memory_space<vmem>>
        %dma_wait3A_297 = arith.constant 0 : i32
        %dma_wait3A_298 = arith.constant 0 : i32
        %dma_wait3A_299 = tpu.memref_slice %arg5[%dma_wait3A_297, %dma_wait3A_298] : memref<262176x128xf32, #tpu.memory_space<hbm>> -> memref<96x128xf32, #tpu.memory_space<hbm>>
        tpu.wait_dma2 semaphore(%arg16 : memref<!tpu.dma_semaphore, #tpu.memory_space<semaphore_mem>>) src(%dma_wait3A_299 : memref<96x128xf32, #tpu.memory_space<hbm>>) dst(%dma_wait3A_296 : memref<96x128xf32, #tpu.memory_space<vmem>>)
        %dma_wait3A_300 = arith.constant 0 : i32
        %dma_wait3A_301 = arith.constant 0 : i32
        %dma_wait3A_302 = arith.constant 0 : i32
        %dma_wait3A_303 = tpu.memref_slice %arg9[%dma_wait3A_300, %dma_wait3A_301, %dma_wait3A_302] : memref<2x96x128xf32, #tpu.memory_space<vmem>> -> memref<1x96x128xf32, #tpu.memory_space<vmem>>
        %dma_wait3A_304 = tpu.memref_squeeze %dma_wait3A_303 : memref<1x96x128xf32, #tpu.memory_space<vmem>> -> memref<96x128xf32, #tpu.memory_space<vmem>>
        %dma_wait3A_305 = arith.constant 0 : i32
        %dma_wait3A_306 = arith.constant 0 : i32
        %dma_wait3A_307 = tpu.memref_slice %arg6[%dma_wait3A_305, %dma_wait3A_306] : memref<262176x128xf32, #tpu.memory_space<hbm>> -> memref<96x128xf32, #tpu.memory_space<hbm>>
        %dma_wait3A_308 = arith.constant 0 : i32
        %dma_wait3A_309 = arith.constant 0 : i32
        %dma_wait3A_310 = tpu.memref_slice %arg9[%dma_wait3A_300, %dma_wait3A_308, %dma_wait3A_309] : memref<2x96x128xf32, #tpu.memory_space<vmem>> -> memref<1x96x128xf32, #tpu.memory_space<vmem>>
        %dma_wait3A_311 = tpu.memref_squeeze %dma_wait3A_310 : memref<1x96x128xf32, #tpu.memory_space<vmem>> -> memref<96x128xf32, #tpu.memory_space<vmem>>
        %dma_wait3A_312 = arith.constant 0 : i32
        %dma_wait3A_313 = arith.constant 0 : i32
        %dma_wait3A_314 = tpu.memref_slice %arg6[%dma_wait3A_312, %dma_wait3A_313] : memref<262176x128xf32, #tpu.memory_space<hbm>> -> memref<96x128xf32, #tpu.memory_space<hbm>>
        tpu.wait_dma2 semaphore(%arg18 : memref<!tpu.dma_semaphore, #tpu.memory_space<semaphore_mem>>) src(%dma_wait3A_314 : memref<96x128xf32, #tpu.memory_space<hbm>>) dst(%dma_wait3A_311 : memref<96x128xf32, #tpu.memory_space<vmem>>)
      } else {
      }
      %mul3A_93 = arith.constant 96 : i32
      %mul3A_94 = arith.muli %mul3A_76, %mul3A_93 : i32
      %add3A_95 = arith.addi %multiple_of3A, %mul3A_94 : i32
      %mul3A_96 = arith.constant 2 : i32
      %mul3A_97 = arith.muli %multiple_of3A_78, %mul3A_96 : i32
      %mul3A_98 = arith.constant 96 : i32
      %mul3A_99 = arith.muli %mul3A_97, %mul3A_98 : i32
      %add3A_100 = arith.constant 0 : i32
      %add3A_101 = arith.addi %mul3A_99, %add3A_100 : i32
      %dma_start3A = arith.constant 0 : i32
      %dma_start3A_102 = arith.constant 0 : i32
      %dma_start3A_103 = arith.constant 0 : i32
      %dma_start3A_104 = tpu.memref_slice %arg9[%dma_start3A, %dma_start3A_102, %dma_start3A_103] : memref<2x96x128xf32, #tpu.memory_space<vmem>> -> memref<1x96x128xf32, #tpu.memory_space<vmem>>
      %dma_start3A_105 = tpu.memref_squeeze %dma_start3A_104 : memref<1x96x128xf32, #tpu.memory_space<vmem>> -> memref<96x128xf32, #tpu.memory_space<vmem>>
      %dma_start3A_106 = tpu.memref_slice %arg8[%add3A_101] : memref<384xi32, #tpu.memory_space<vmem>> -> memref<96xi32, #tpu.memory_space<vmem>>
      %dma_start3A_107 = arith.constant 0 : i32
      %dma_start3A_108 = arith.constant 0 : i32
      %dma_start3A_109 = tpu.memref_slice %arg7[%dma_start3A_107, %dma_start3A_108] : memref<10000x128xf32, #tpu.memory_space<vmem_shared>> -> memref<10000x128xf32, #tpu.memory_space<vmem_shared>>
      tpu.enqueue_indirect_dma source(%dma_start3A_109 : memref<10000x128xf32, #tpu.memory_space<vmem_shared>>) target(%dma_start3A_105 : memref<96x128xf32, #tpu.memory_space<vmem>>) offsets(%dma_start3A_106 : memref<96xi32, #tpu.memory_space<vmem>>) semaphore(%arg12 : memref<!tpu.dma_semaphore, #tpu.memory_space<semaphore_mem>>)
      %dma_start3A_110 = arith.constant 0 : i32
      %dma_start3A_111 = arith.constant 0 : i32
      %dma_start3A_112 = arith.constant 0 : i32
      %dma_start3A_113 = tpu.memref_slice %arg10[%dma_start3A_110, %dma_start3A_111, %dma_start3A_112] : memref<2x96x128xf32, #tpu.memory_space<vmem>> -> memref<1x96x128xf32, #tpu.memory_space<vmem>>
      %dma_start3A_114 = tpu.memref_squeeze %dma_start3A_113 : memref<1x96x128xf32, #tpu.memory_space<vmem>> -> memref<96x128xf32, #tpu.memory_space<vmem>>
      %dma_start3A_115 = arith.constant 0 : i32
      %dma_start3A_116 = tpu.memref_slice %arg4[%add3A_95, %dma_start3A_115] : memref<262176x128xf32, #tpu.memory_space<hbm>> -> memref<96x128xf32, #tpu.memory_space<hbm>>
      %dma_start3A_117 = arith.constant 0 : i32
      %dma_start3A_118 = arith.constant 0 : i32
      %dma_start3A_119 = tpu.memref_slice %arg10[%dma_start3A_110, %dma_start3A_117, %dma_start3A_118] : memref<2x96x128xf32, #tpu.memory_space<vmem>> -> memref<1x96x128xf32, #tpu.memory_space<vmem>>
      %dma_start3A_120 = tpu.memref_squeeze %dma_start3A_119 : memref<1x96x128xf32, #tpu.memory_space<vmem>> -> memref<96x128xf32, #tpu.memory_space<vmem>>
      %dma_start3A_121 = arith.constant 0 : i32
      %dma_start3A_122 = tpu.memref_slice %arg4[%add3A_95, %dma_start3A_121] : memref<262176x128xf32, #tpu.memory_space<hbm>> -> memref<96x128xf32, #tpu.memory_space<hbm>>
      tpu.enqueue_dma source(%dma_start3A_122 : memref<96x128xf32, #tpu.memory_space<hbm>>) target(%dma_start3A_120 : memref<96x128xf32, #tpu.memory_space<vmem>>) target_semaphore(%arg14 : memref<!tpu.dma_semaphore, #tpu.memory_space<semaphore_mem>>)
      %gt3A_123 = arith.constant 0 : i32
      %gt3A_124 = arith.cmpi sgt, %scan3A_74, %gt3A_123 : i32
      %convert_element_type3A_125 = arith.extui %gt3A_124 : i1 to i32
      %cond3A_126 = arith.constant 0 : i32
      %cond3A_127 = arith.cmpi ne, %convert_element_type3A_125, %cond3A_126 : i32
      scf.if %cond3A_127 {
        %dma_wait3A_285 = arith.constant 1 : i32
        %dma_wait3A_286 = arith.constant 0 : i32
        %dma_wait3A_287 = arith.constant 0 : i32
        %dma_wait3A_288 = tpu.memref_slice %arg10[%dma_wait3A_285, %dma_wait3A_286, %dma_wait3A_287] : memref<2x96x128xf32, #tpu.memory_space<vmem>> -> memref<1x96x128xf32, #tpu.memory_space<vmem>>
        %dma_wait3A_289 = tpu.memref_squeeze %dma_wait3A_288 : memref<1x96x128xf32, #tpu.memory_space<vmem>> -> memref<96x128xf32, #tpu.memory_space<vmem>>
        %dma_wait3A_290 = arith.constant 0 : i32
        %dma_wait3A_291 = arith.constant 0 : i32
        %dma_wait3A_292 = tpu.memref_slice %arg5[%dma_wait3A_290, %dma_wait3A_291] : memref<262176x128xf32, #tpu.memory_space<hbm>> -> memref<96x128xf32, #tpu.memory_space<hbm>>
        %dma_wait3A_293 = arith.constant 0 : i32
        %dma_wait3A_294 = arith.constant 0 : i32
        %dma_wait3A_295 = tpu.memref_slice %arg10[%dma_wait3A_285, %dma_wait3A_293, %dma_wait3A_294] : memref<2x96x128xf32, #tpu.memory_space<vmem>> -> memref<1x96x128xf32, #tpu.memory_space<vmem>>
        %dma_wait3A_296 = tpu.memref_squeeze %dma_wait3A_295 : memref<1x96x128xf32, #tpu.memory_space<vmem>> -> memref<96x128xf32, #tpu.memory_space<vmem>>
        %dma_wait3A_297 = arith.constant 0 : i32
        %dma_wait3A_298 = arith.constant 0 : i32
        %dma_wait3A_299 = tpu.memref_slice %arg5[%dma_wait3A_297, %dma_wait3A_298] : memref<262176x128xf32, #tpu.memory_space<hbm>> -> memref<96x128xf32, #tpu.memory_space<hbm>>
        tpu.wait_dma2 semaphore(%arg17 : memref<!tpu.dma_semaphore, #tpu.memory_space<semaphore_mem>>) src(%dma_wait3A_299 : memref<96x128xf32, #tpu.memory_space<hbm>>) dst(%dma_wait3A_296 : memref<96x128xf32, #tpu.memory_space<vmem>>)
        %dma_wait3A_300 = arith.constant 1 : i32
        %dma_wait3A_301 = arith.constant 0 : i32
        %dma_wait3A_302 = arith.constant 0 : i32
        %dma_wait3A_303 = tpu.memref_slice %arg9[%dma_wait3A_300, %dma_wait3A_301, %dma_wait3A_302] : memref<2x96x128xf32, #tpu.memory_space<vmem>> -> memref<1x96x128xf32, #tpu.memory_space<vmem>>
        %dma_wait3A_304 = tpu.memref_squeeze %dma_wait3A_303 : memref<1x96x128xf32, #tpu.memory_space<vmem>> -> memref<96x128xf32, #tpu.memory_space<vmem>>
        %dma_wait3A_305 = arith.constant 0 : i32
        %dma_wait3A_306 = arith.constant 0 : i32
        %dma_wait3A_307 = tpu.memref_slice %arg6[%dma_wait3A_305, %dma_wait3A_306] : memref<262176x128xf32, #tpu.memory_space<hbm>> -> memref<96x128xf32, #tpu.memory_space<hbm>>
        %dma_wait3A_308 = arith.constant 0 : i32
        %dma_wait3A_309 = arith.constant 0 : i32
        %dma_wait3A_310 = tpu.memref_slice %arg9[%dma_wait3A_300, %dma_wait3A_308, %dma_wait3A_309] : memref<2x96x128xf32, #tpu.memory_space<vmem>> -> memref<1x96x128xf32, #tpu.memory_space<vmem>>
        %dma_wait3A_311 = tpu.memref_squeeze %dma_wait3A_310 : memref<1x96x128xf32, #tpu.memory_space<vmem>> -> memref<96x128xf32, #tpu.memory_space<vmem>>
        %dma_wait3A_312 = arith.constant 0 : i32
        %dma_wait3A_313 = arith.constant 0 : i32
        %dma_wait3A_314 = tpu.memref_slice %arg6[%dma_wait3A_312, %dma_wait3A_313] : memref<262176x128xf32, #tpu.memory_space<hbm>> -> memref<96x128xf32, #tpu.memory_space<hbm>>
        tpu.wait_dma2 semaphore(%arg19 : memref<!tpu.dma_semaphore, #tpu.memory_space<semaphore_mem>>) src(%dma_wait3A_314 : memref<96x128xf32, #tpu.memory_space<hbm>>) dst(%dma_wait3A_311 : memref<96x128xf32, #tpu.memory_space<vmem>>)
      } else {
      }
      %add3A_128 = arith.constant 1 : i32
      %add3A_129 = arith.addi %mul3A_76, %add3A_128 : i32
      %mul3A_130 = arith.constant 96 : i32
      %mul3A_131 = arith.muli %add3A_129, %mul3A_130 : i32
      %add3A_132 = arith.addi %multiple_of3A, %mul3A_131 : i32
      %mul3A_133 = arith.constant 2 : i32
      %mul3A_134 = arith.muli %multiple_of3A_78, %mul3A_133 : i32
      %mul3A_135 = arith.constant 96 : i32
      %mul3A_136 = arith.muli %mul3A_134, %mul3A_135 : i32
      %add3A_137 = arith.constant 96 : i32
      %add3A_138 = arith.addi %mul3A_136, %add3A_137 : i32
      %dma_start3A_139 = arith.constant 1 : i32
      %dma_start3A_140 = arith.constant 0 : i32
      %dma_start3A_141 = arith.constant 0 : i32
      %dma_start3A_142 = tpu.memref_slice %arg9[%dma_start3A_139, %dma_start3A_140, %dma_start3A_141] : memref<2x96x128xf32, #tpu.memory_space<vmem>> -> memref<1x96x128xf32, #tpu.memory_space<vmem>>
      %dma_start3A_143 = tpu.memref_squeeze %dma_start3A_142 : memref<1x96x128xf32, #tpu.memory_space<vmem>> -> memref<96x128xf32, #tpu.memory_space<vmem>>
      %dma_start3A_144 = tpu.memref_slice %arg8[%add3A_138] : memref<384xi32, #tpu.memory_space<vmem>> -> memref<96xi32, #tpu.memory_space<vmem>>
      %dma_start3A_145 = arith.constant 0 : i32
      %dma_start3A_146 = arith.constant 0 : i32
      %dma_start3A_147 = tpu.memref_slice %arg7[%dma_start3A_145, %dma_start3A_146] : memref<10000x128xf32, #tpu.memory_space<vmem_shared>> -> memref<10000x128xf32, #tpu.memory_space<vmem_shared>>
      tpu.enqueue_indirect_dma source(%dma_start3A_147 : memref<10000x128xf32, #tpu.memory_space<vmem_shared>>) target(%dma_start3A_143 : memref<96x128xf32, #tpu.memory_space<vmem>>) offsets(%dma_start3A_144 : memref<96xi32, #tpu.memory_space<vmem>>) semaphore(%arg13 : memref<!tpu.dma_semaphore, #tpu.memory_space<semaphore_mem>>)
      %dma_start3A_148 = arith.constant 1 : i32
      %dma_start3A_149 = arith.constant 0 : i32
      %dma_start3A_150 = arith.constant 0 : i32
      %dma_start3A_151 = tpu.memref_slice %arg10[%dma_start3A_148, %dma_start3A_149, %dma_start3A_150] : memref<2x96x128xf32, #tpu.memory_space<vmem>> -> memref<1x96x128xf32, #tpu.memory_space<vmem>>
      %dma_start3A_152 = tpu.memref_squeeze %dma_start3A_151 : memref<1x96x128xf32, #tpu.memory_space<vmem>> -> memref<96x128xf32, #tpu.memory_space<vmem>>
      %dma_start3A_153 = arith.constant 0 : i32
      %dma_start3A_154 = tpu.memref_slice %arg4[%add3A_132, %dma_start3A_153] : memref<262176x128xf32, #tpu.memory_space<hbm>> -> memref<96x128xf32, #tpu.memory_space<hbm>>
      %dma_start3A_155 = arith.constant 0 : i32
      %dma_start3A_156 = arith.constant 0 : i32
      %dma_start3A_157 = tpu.memref_slice %arg10[%dma_start3A_148, %dma_start3A_155, %dma_start3A_156] : memref<2x96x128xf32, #tpu.memory_space<vmem>> -> memref<1x96x128xf32, #tpu.memory_space<vmem>>
      %dma_start3A_158 = tpu.memref_squeeze %dma_start3A_157 : memref<1x96x128xf32, #tpu.memory_space<vmem>> -> memref<96x128xf32, #tpu.memory_space<vmem>>
      %dma_start3A_159 = arith.constant 0 : i32
      %dma_start3A_160 = tpu.memref_slice %arg4[%add3A_132, %dma_start3A_159] : memref<262176x128xf32, #tpu.memory_space<hbm>> -> memref<96x128xf32, #tpu.memory_space<hbm>>
      tpu.enqueue_dma source(%dma_start3A_160 : memref<96x128xf32, #tpu.memory_space<hbm>>) target(%dma_start3A_158 : memref<96x128xf32, #tpu.memory_space<vmem>>) target_semaphore(%arg15 : memref<!tpu.dma_semaphore, #tpu.memory_space<semaphore_mem>>)
      %dma_wait3A_161 = arith.constant 0 : i32
      %dma_wait3A_162 = arith.constant 0 : i32
      %dma_wait3A_163 = arith.constant 0 : i32
      %dma_wait3A_164 = tpu.memref_slice %arg9[%dma_wait3A_161, %dma_wait3A_162, %dma_wait3A_163] : memref<2x96x128xf32, #tpu.memory_space<vmem>> -> memref<1x96x128xf32, #tpu.memory_space<vmem>>
      %dma_wait3A_165 = tpu.memref_squeeze %dma_wait3A_164 : memref<1x96x128xf32, #tpu.memory_space<vmem>> -> memref<96x128xf32, #tpu.memory_space<vmem>>
      %dma_wait3A_166 = tpu.memref_slice %arg8[%add3A_101] : memref<384xi32, #tpu.memory_space<vmem>> -> memref<96xi32, #tpu.memory_space<vmem>>
      %dma_wait3A_167 = arith.constant 0 : i32
      %dma_wait3A_168 = arith.constant 0 : i32
      %dma_wait3A_169 = tpu.memref_slice %arg7[%dma_wait3A_167, %dma_wait3A_168] : memref<10000x128xf32, #tpu.memory_space<vmem_shared>> -> memref<10000x128xf32, #tpu.memory_space<vmem_shared>>
      tpu.wait_indirect_dma semaphore(%arg12 : memref<!tpu.dma_semaphore, #tpu.memory_space<semaphore_mem>>) src(%dma_wait3A_169 : memref<10000x128xf32, #tpu.memory_space<vmem_shared>>) dst(%dma_wait3A_165 : memref<96x128xf32, #tpu.memory_space<vmem>>)
      %mul3A_170 = arith.constant 96 : i32
      %mul3A_171 = arith.muli %mul3A_76, %mul3A_170 : i32
      %add3A_172 = arith.addi %multiple_of3A, %mul3A_171 : i32
      %dma_start3A_173 = arith.constant 0 : i32
      %dma_start3A_174 = arith.constant 0 : i32
      %dma_start3A_175 = arith.constant 0 : i32
      %dma_start3A_176 = tpu.memref_slice %arg9[%dma_start3A_173, %dma_start3A_174, %dma_start3A_175] : memref<2x96x128xf32, #tpu.memory_space<vmem>> -> memref<1x96x128xf32, #tpu.memory_space<vmem>>
      %dma_start3A_177 = tpu.memref_squeeze %dma_start3A_176 : memref<1x96x128xf32, #tpu.memory_space<vmem>> -> memref<96x128xf32, #tpu.memory_space<vmem>>
      %dma_start3A_178 = arith.constant 0 : i32
      %dma_start3A_179 = tpu.memref_slice %arg6[%add3A_172, %dma_start3A_178] : memref<262176x128xf32, #tpu.memory_space<hbm>> -> memref<96x128xf32, #tpu.memory_space<hbm>>
      %dma_start3A_180 = arith.constant 0 : i32
      %dma_start3A_181 = tpu.memref_slice %arg6[%add3A_172, %dma_start3A_180] : memref<262176x128xf32, #tpu.memory_space<hbm>> -> memref<96x128xf32, #tpu.memory_space<hbm>>
      %dma_start3A_182 = arith.constant 0 : i32
      %dma_start3A_183 = arith.constant 0 : i32
      %dma_start3A_184 = tpu.memref_slice %arg9[%dma_start3A_173, %dma_start3A_182, %dma_start3A_183] : memref<2x96x128xf32, #tpu.memory_space<vmem>> -> memref<1x96x128xf32, #tpu.memory_space<vmem>>
      %dma_start3A_185 = tpu.memref_squeeze %dma_start3A_184 : memref<1x96x128xf32, #tpu.memory_space<vmem>> -> memref<96x128xf32, #tpu.memory_space<vmem>>
      tpu.enqueue_dma source(%dma_start3A_185 : memref<96x128xf32, #tpu.memory_space<vmem>>) target(%dma_start3A_181 : memref<96x128xf32, #tpu.memory_space<hbm>>) target_semaphore(%arg18 : memref<!tpu.dma_semaphore, #tpu.memory_space<semaphore_mem>>)
      %dma_wait3A_186 = arith.constant 0 : i32
      %dma_wait3A_187 = arith.constant 0 : i32
      %dma_wait3A_188 = arith.constant 0 : i32
      %dma_wait3A_189 = tpu.memref_slice %arg10[%dma_wait3A_186, %dma_wait3A_187, %dma_wait3A_188] : memref<2x96x128xf32, #tpu.memory_space<vmem>> -> memref<1x96x128xf32, #tpu.memory_space<vmem>>
      %dma_wait3A_190 = tpu.memref_squeeze %dma_wait3A_189 : memref<1x96x128xf32, #tpu.memory_space<vmem>> -> memref<96x128xf32, #tpu.memory_space<vmem>>
      %dma_wait3A_191 = arith.constant 0 : i32
      %dma_wait3A_192 = tpu.memref_slice %arg4[%add3A_95, %dma_wait3A_191] : memref<262176x128xf32, #tpu.memory_space<hbm>> -> memref<96x128xf32, #tpu.memory_space<hbm>>
      %dma_wait3A_193 = arith.constant 0 : i32
      %dma_wait3A_194 = arith.constant 0 : i32
      %dma_wait3A_195 = tpu.memref_slice %arg10[%dma_wait3A_186, %dma_wait3A_193, %dma_wait3A_194] : memref<2x96x128xf32, #tpu.memory_space<vmem>> -> memref<1x96x128xf32, #tpu.memory_space<vmem>>
      %dma_wait3A_196 = tpu.memref_squeeze %dma_wait3A_195 : memref<1x96x128xf32, #tpu.memory_space<vmem>> -> memref<96x128xf32, #tpu.memory_space<vmem>>
      %dma_wait3A_197 = arith.constant 0 : i32
      %dma_wait3A_198 = tpu.memref_slice %arg4[%add3A_95, %dma_wait3A_197] : memref<262176x128xf32, #tpu.memory_space<hbm>> -> memref<96x128xf32, #tpu.memory_space<hbm>>
      tpu.wait_dma2 semaphore(%arg14 : memref<!tpu.dma_semaphore, #tpu.memory_space<semaphore_mem>>) src(%dma_wait3A_198 : memref<96x128xf32, #tpu.memory_space<hbm>>) dst(%dma_wait3A_196 : memref<96x128xf32, #tpu.memory_space<vmem>>)
      %scan3A_199 = arith.constant 0 : i32
      %scan3A_200 = arith.constant 0 : i32
      %scan3A_201 = arith.constant 24 : i32
      %scan3A_202 = arith.addi %scan3A_200, %scan3A_201 : i32
      %scan3A_203 = arith.constant 1 : i32
      scf.for %scan3A_285 = %scan3A_200 to %scan3A_202 step %scan3A_203  : i32 {
        %mul3A_286 = arith.constant 4 : i32
        %mul3A_287 = arith.muli %mul3A_286, %scan3A_285 : i32
        %add3A_288 = arith.constant 0 : i32
        %add3A_289 = arith.addi %mul3A_287, %add3A_288 : i32
        %get3A = arith.constant 0 : i32
        %get3A_290 = arith.index_cast %get3A : i32 to index
        %get3A_291 = arith.index_cast %add3A_289 : i32 to index
        %get3A_292 = arith.constant 0 : index
        %get3A_293 = tpu.vector_load %arg9[%get3A_290, %get3A_291, %get3A_292] {strides = array<i32>} : memref<2x96x128xf32, #tpu.memory_space<vmem>>, vector<1x1x16xf32>,
        %get3A_294 = vector.shape_cast %get3A_293 : vector<1x1x16xf32> to vector<16xf32>
        %swap3A = arith.constant 0 : i32
        %swap3A_295 = arith.index_cast %swap3A : i32 to index
        %swap3A_296 = arith.index_cast %add3A_289 : i32 to index
        %swap3A_297 = arith.constant 0 : index
        %swap3A_298 = tpu.vector_load %arg10[%swap3A_295, %swap3A_296, %swap3A_297] {strides = array<i32>} : memref<2x96x128xf32, #tpu.memory_space<vmem>>, vector<1x1x16xf32>,
        %swap3A_299 = vector.shape_cast %swap3A_298 : vector<1x1x16xf32> to vector<16xf32>
        %swap3A_300 = vector.shape_cast %get3A_294 : vector<16xf32> to vector<1x1x16xf32>
        tpu.vector_store %arg10[%swap3A_295, %swap3A_296, %swap3A_297], %swap3A_300 {add = true, strides = array<i32>} : memref<2x96x128xf32, #tpu.memory_space<vmem>>, vector<1x1x16xf32>,
        %get3A_301 = arith.constant 0 : i32
        %get3A_302 = arith.index_cast %get3A_301 : i32 to index
        %get3A_303 = arith.index_cast %add3A_289 : i32 to index
        %get3A_304 = arith.constant 16 : index
        %get3A_305 = tpu.vector_load %arg9[%get3A_302, %get3A_303, %get3A_304] {strides = array<i32>} : memref<2x96x128xf32, #tpu.memory_space<vmem>>, vector<1x1x16xf32>,
        %get3A_306 = vector.shape_cast %get3A_305 : vector<1x1x16xf32> to vector<16xf32>
        %swap3A_307 = arith.constant 0 : i32
        %swap3A_308 = arith.index_cast %swap3A_307 : i32 to index
        %swap3A_309 = arith.index_cast %add3A_289 : i32 to index
        %swap3A_310 = arith.constant 16 : index
        %swap3A_311 = tpu.vector_load %arg10[%swap3A_308, %swap3A_309, %swap3A_310] {strides = array<i32>} : memref<2x96x128xf32, #tpu.memory_space<vmem>>, vector<1x1x16xf32>,
        %swap3A_312 = vector.shape_cast %swap3A_311 : vector<1x1x16xf32> to vector<16xf32>
        %swap3A_313 = vector.shape_cast %get3A_306 : vector<16xf32> to vector<1x1x16xf32>
        tpu.vector_store %arg10[%swap3A_308, %swap3A_309, %swap3A_310], %swap3A_313 {add = true, strides = array<i32>} : memref<2x96x128xf32, #tpu.memory_space<vmem>>, vector<1x1x16xf32>,
        %get3A_314 = arith.constant 0 : i32
        %get3A_315 = arith.index_cast %get3A_314 : i32 to index
        %get3A_316 = arith.index_cast %add3A_289 : i32 to index
        %get3A_317 = arith.constant 32 : index
        %get3A_318 = tpu.vector_load %arg9[%get3A_315, %get3A_316, %get3A_317] {strides = array<i32>} : memref<2x96x128xf32, #tpu.memory_space<vmem>>, vector<1x1x16xf32>,
        %get3A_319 = vector.shape_cast %get3A_318 : vector<1x1x16xf32> to vector<16xf32>
        %swap3A_320 = arith.constant 0 : i32
        %swap3A_321 = arith.index_cast %swap3A_320 : i32 to index
        %swap3A_322 = arith.index_cast %add3A_289 : i32 to index
        %swap3A_323 = arith.constant 32 : index
        %swap3A_324 = tpu.vector_load %arg10[%swap3A_321, %swap3A_322, %swap3A_323] {strides = array<i32>} : memref<2x96x128xf32, #tpu.memory_space<vmem>>, vector<1x1x16xf32>,
        %swap3A_325 = vector.shape_cast %swap3A_324 : vector<1x1x16xf32> to vector<16xf32>
        %swap3A_326 = vector.shape_cast %get3A_319 : vector<16xf32> to vector<1x1x16xf32>
        tpu.vector_store %arg10[%swap3A_321, %swap3A_322, %swap3A_323], %swap3A_326 {add = true, strides = array<i32>} : memref<2x96x128xf32, #tpu.memory_space<vmem>>, vector<1x1x16xf32>,
        %get3A_327 = arith.constant 0 : i32
        %get3A_328 = arith.index_cast %get3A_327 : i32 to index
        %get3A_329 = arith.index_cast %add3A_289 : i32 to index
        %get3A_330 = arith.constant 48 : index
        %get3A_331 = tpu.vector_load %arg9[%get3A_328, %get3A_329, %get3A_330] {strides = array<i32>} : memref<2x96x128xf32, #tpu.memory_space<vmem>>, vector<1x1x16xf32>,
        %get3A_332 = vector.shape_cast %get3A_331 : vector<1x1x16xf32> to vector<16xf32>
        %swap3A_333 = arith.constant 0 : i32
        %swap3A_334 = arith.index_cast %swap3A_333 : i32 to index
        %swap3A_335 = arith.index_cast %add3A_289 : i32 to index
        %swap3A_336 = arith.constant 48 : index
        %swap3A_337 = tpu.vector_load %arg10[%swap3A_334, %swap3A_335, %swap3A_336] {strides = array<i32>} : memref<2x96x128xf32, #tpu.memory_space<vmem>>, vector<1x1x16xf32>,
        %swap3A_338 = vector.shape_cast %swap3A_337 : vector<1x1x16xf32> to vector<16xf32>
        %swap3A_339 = vector.shape_cast %get3A_332 : vector<16xf32> to vector<1x1x16xf32>
        tpu.vector_store %arg10[%swap3A_334, %swap3A_335, %swap3A_336], %swap3A_339 {add = true, strides = array<i32>} : memref<2x96x128xf32, #tpu.memory_space<vmem>>, vector<1x1x16xf32>,
        %get3A_340 = arith.constant 0 : i32
        %get3A_341 = arith.index_cast %get3A_340 : i32 to index
        %get3A_342 = arith.index_cast %add3A_289 : i32 to index
        %get3A_343 = arith.constant 64 : index
        %get3A_344 = tpu.vector_load %arg9[%get3A_341, %get3A_342, %get3A_343] {strides = array<i32>} : memref<2x96x128xf32, #tpu.memory_space<vmem>>, vector<1x1x16xf32>,
        %get3A_345 = vector.shape_cast %get3A_344 : vector<1x1x16xf32> to vector<16xf32>
        %swap3A_346 = arith.constant 0 : i32
        %swap3A_347 = arith.index_cast %swap3A_346 : i32 to index
        %swap3A_348 = arith.index_cast %add3A_289 : i32 to index
        %swap3A_349 = arith.constant 64 : index
        %swap3A_350 = tpu.vector_load %arg10[%swap3A_347, %swap3A_348, %swap3A_349] {strides = array<i32>} : memref<2x96x128xf32, #tpu.memory_space<vmem>>, vector<1x1x16xf32>,
        %swap3A_351 = vector.shape_cast %swap3A_350 : vector<1x1x16xf32> to vector<16xf32>
        %swap3A_352 = vector.shape_cast %get3A_345 : vector<16xf32> to vector<1x1x16xf32>
        tpu.vector_store %arg10[%swap3A_347, %swap3A_348, %swap3A_349], %swap3A_352 {add = true, strides = array<i32>} : memref<2x96x128xf32, #tpu.memory_space<vmem>>, vector<1x1x16xf32>,
        %get3A_353 = arith.constant 0 : i32
        %get3A_354 = arith.index_cast %get3A_353 : i32 to index
        %get3A_355 = arith.index_cast %add3A_289 : i32 to index
        %get3A_356 = arith.constant 80 : index
        %get3A_357 = tpu.vector_load %arg9[%get3A_354, %get3A_355, %get3A_356] {strides = array<i32>} : memref<2x96x128xf32, #tpu.memory_space<vmem>>, vector<1x1x16xf32>,
        %get3A_358 = vector.shape_cast %get3A_357 : vector<1x1x16xf32> to vector<16xf32>
        %swap3A_359 = arith.constant 0 : i32
        %swap3A_360 = arith.index_cast %swap3A_359 : i32 to index
        %swap3A_361 = arith.index_cast %add3A_289 : i32 to index
        %swap3A_362 = arith.constant 80 : index
        %swap3A_363 = tpu.vector_load %arg10[%swap3A_360, %swap3A_361, %swap3A_362] {strides = array<i32>} : memref<2x96x128xf32, #tpu.memory_space<vmem>>, vector<1x1x16xf32>,
        %swap3A_364 = vector.shape_cast %swap3A_363 : vector<1x1x16xf32> to vector<16xf32>
        %swap3A_365 = vector.shape_cast %get3A_358 : vector<16xf32> to vector<1x1x16xf32>
        tpu.vector_store %arg10[%swap3A_360, %swap3A_361, %swap3A_362], %swap3A_365 {add = true, strides = array<i32>} : memref<2x96x128xf32, #tpu.memory_space<vmem>>, vector<1x1x16xf32>,
        %get3A_366 = arith.constant 0 : i32
        %get3A_367 = arith.index_cast %get3A_366 : i32 to index
        %get3A_368 = arith.index_cast %add3A_289 : i32 to index
        %get3A_369 = arith.constant 96 : index
        %get3A_370 = tpu.vector_load %arg9[%get3A_367, %get3A_368, %get3A_369] {strides = array<i32>} : memref<2x96x128xf32, #tpu.memory_space<vmem>>, vector<1x1x16xf32>,
        %get3A_371 = vector.shape_cast %get3A_370 : vector<1x1x16xf32> to vector<16xf32>
        %swap3A_372 = arith.constant 0 : i32
        %swap3A_373 = arith.index_cast %swap3A_372 : i32 to index
        %swap3A_374 = arith.index_cast %add3A_289 : i32 to index
        %swap3A_375 = arith.constant 96 : index
        %swap3A_376 = tpu.vector_load %arg10[%swap3A_373, %swap3A_374, %swap3A_375] {strides = array<i32>} : memref<2x96x128xf32, #tpu.memory_space<vmem>>, vector<1x1x16xf32>,
        %swap3A_377 = vector.shape_cast %swap3A_376 : vector<1x1x16xf32> to vector<16xf32>
        %swap3A_378 = vector.shape_cast %get3A_371 : vector<16xf32> to vector<1x1x16xf32>
        tpu.vector_store %arg10[%swap3A_373, %swap3A_374, %swap3A_375], %swap3A_378 {add = true, strides = array<i32>} : memref<2x96x128xf32, #tpu.memory_space<vmem>>, vector<1x1x16xf32>,
        %get3A_379 = arith.constant 0 : i32
        %get3A_380 = arith.index_cast %get3A_379 : i32 to index
        %get3A_381 = arith.index_cast %add3A_289 : i32 to index
        %get3A_382 = arith.constant 112 : index
        %get3A_383 = tpu.vector_load %arg9[%get3A_380, %get3A_381, %get3A_382] {strides = array<i32>} : memref<2x96x128xf32, #tpu.memory_space<vmem>>, vector<1x1x16xf32>,
        %get3A_384 = vector.shape_cast %get3A_383 : vector<1x1x16xf32> to vector<16xf32>
        %swap3A_385 = arith.constant 0 : i32
        %swap3A_386 = arith.index_cast %swap3A_385 : i32 to index
        %swap3A_387 = arith.index_cast %add3A_289 : i32 to index
        %swap3A_388 = arith.constant 112 : index
        %swap3A_389 = tpu.vector_load %arg10[%swap3A_386, %swap3A_387, %swap3A_388] {strides = array<i32>} : memref<2x96x128xf32, #tpu.memory_space<vmem>>, vector<1x1x16xf32>,
        %swap3A_390 = vector.shape_cast %swap3A_389 : vector<1x1x16xf32> to vector<16xf32>
        %swap3A_391 = vector.shape_cast %get3A_384 : vector<16xf32> to vector<1x1x16xf32>
        tpu.vector_store %arg10[%swap3A_386, %swap3A_387, %swap3A_388], %swap3A_391 {add = true, strides = array<i32>} : memref<2x96x128xf32, #tpu.memory_space<vmem>>, vector<1x1x16xf32>,
        %mul3A_392 = arith.constant 4 : i32
        %mul3A_393 = arith.muli %mul3A_392, %scan3A_285 : i32
        %add3A_394 = arith.constant 1 : i32
        %add3A_395 = arith.addi %mul3A_393, %add3A_394 : i32
        %get3A_396 = arith.constant 0 : i32
        %get3A_397 = arith.index_cast %get3A_396 : i32 to index
        %get3A_398 = arith.index_cast %add3A_395 : i32 to index
        %get3A_399 = arith.constant 0 : index
        %get3A_400 = tpu.vector_load %arg9[%get3A_397, %get3A_398, %get3A_399] {strides = array<i32>} : memref<2x96x128xf32, #tpu.memory_space<vmem>>, vector<1x1x16xf32>,
        %get3A_401 = vector.shape_cast %get3A_400 : vector<1x1x16xf32> to vector<16xf32>
        %swap3A_402 = arith.constant 0 : i32
        %swap3A_403 = arith.index_cast %swap3A_402 : i32 to index
        %swap3A_404 = arith.index_cast %add3A_395 : i32 to index
        %swap3A_405 = arith.constant 0 : index
        %swap3A_406 = tpu.vector_load %arg10[%swap3A_403, %swap3A_404, %swap3A_405] {strides = array<i32>} : memref<2x96x128xf32, #tpu.memory_space<vmem>>, vector<1x1x16xf32>,
        %swap3A_407 = vector.shape_cast %swap3A_406 : vector<1x1x16xf32> to vector<16xf32>
        %swap3A_408 = vector.shape_cast %get3A_401 : vector<16xf32> to vector<1x1x16xf32>
        tpu.vector_store %arg10[%swap3A_403, %swap3A_404, %swap3A_405], %swap3A_408 {add = true, strides = array<i32>} : memref<2x96x128xf32, #tpu.memory_space<vmem>>, vector<1x1x16xf32>,
        %get3A_409 = arith.constant 0 : i32
        %get3A_410 = arith.index_cast %get3A_409 : i32 to index
        %get3A_411 = arith.index_cast %add3A_395 : i32 to index
        %get3A_412 = arith.constant 16 : index
        %get3A_413 = tpu.vector_load %arg9[%get3A_410, %get3A_411, %get3A_412] {strides = array<i32>} : memref<2x96x128xf32, #tpu.memory_space<vmem>>, vector<1x1x16xf32>,
        %get3A_414 = vector.shape_cast %get3A_413 : vector<1x1x16xf32> to vector<16xf32>
        %swap3A_415 = arith.constant 0 : i32
        %swap3A_416 = arith.index_cast %swap3A_415 : i32 to index
        %swap3A_417 = arith.index_cast %add3A_395 : i32 to index
        %swap3A_418 = arith.constant 16 : index
        %swap3A_419 = tpu.vector_load %arg10[%swap3A_416, %swap3A_417, %swap3A_418] {strides = array<i32>} : memref<2x96x128xf32, #tpu.memory_space<vmem>>, vector<1x1x16xf32>,
        %swap3A_420 = vector.shape_cast %swap3A_419 : vector<1x1x16xf32> to vector<16xf32>
        %swap3A_421 = vector.shape_cast %get3A_414 : vector<16xf32> to vector<1x1x16xf32>
        tpu.vector_store %arg10[%swap3A_416, %swap3A_417, %swap3A_418], %swap3A_421 {add = true, strides = array<i32>} : memref<2x96x128xf32, #tpu.memory_space<vmem>>, vector<1x1x16xf32>,
        %get3A_422 = arith.constant 0 : i32
        %get3A_423 = arith.index_cast %get3A_422 : i32 to index
        %get3A_424 = arith.index_cast %add3A_395 : i32 to index
        %get3A_425 = arith.constant 32 : index
        %get3A_426 = tpu.vector_load %arg9[%get3A_423, %get3A_424, %get3A_425] {strides = array<i32>} : memref<2x96x128xf32, #tpu.memory_space<vmem>>, vector<1x1x16xf32>,
        %get3A_427 = vector.shape_cast %get3A_426 : vector<1x1x16xf32> to vector<16xf32>
        %swap3A_428 = arith.constant 0 : i32
        %swap3A_429 = arith.index_cast %swap3A_428 : i32 to index
        %swap3A_430 = arith.index_cast %add3A_395 : i32 to index
        %swap3A_431 = arith.constant 32 : index
        %swap3A_432 = tpu.vector_load %arg10[%swap3A_429, %swap3A_430, %swap3A_431] {strides = array<i32>} : memref<2x96x128xf32, #tpu.memory_space<vmem>>, vector<1x1x16xf32>,
        %swap3A_433 = vector.shape_cast %swap3A_432 : vector<1x1x16xf32> to vector<16xf32>
        %swap3A_434 = vector.shape_cast %get3A_427 : vector<16xf32> to vector<1x1x16xf32>
        tpu.vector_store %arg10[%swap3A_429, %swap3A_430, %swap3A_431], %swap3A_434 {add = true, strides = array<i32>} : memref<2x96x128xf32, #tpu.memory_space<vmem>>, vector<1x1x16xf32>,
        %get3A_435 = arith.constant 0 : i32
        %get3A_436 = arith.index_cast %get3A_435 : i32 to index
        %get3A_437 = arith.index_cast %add3A_395 : i32 to index
        %get3A_438 = arith.constant 48 : index
        %get3A_439 = tpu.vector_load %arg9[%get3A_436, %get3A_437, %get3A_438] {strides = array<i32>} : memref<2x96x128xf32, #tpu.memory_space<vmem>>, vector<1x1x16xf32>,
        %get3A_440 = vector.shape_cast %get3A_439 : vector<1x1x16xf32> to vector<16xf32>
        %swap3A_441 = arith.constant 0 : i32
        %swap3A_442 = arith.index_cast %swap3A_441 : i32 to index
        %swap3A_443 = arith.index_cast %add3A_395 : i32 to index
        %swap3A_444 = arith.constant 48 : index
        %swap3A_445 = tpu.vector_load %arg10[%swap3A_442, %swap3A_443, %swap3A_444] {strides = array<i32>} : memref<2x96x128xf32, #tpu.memory_space<vmem>>, vector<1x1x16xf32>,
        %swap3A_446 = vector.shape_cast %swap3A_445 : vector<1x1x16xf32> to vector<16xf32>
        %swap3A_447 = vector.shape_cast %get3A_440 : vector<16xf32> to vector<1x1x16xf32>
        tpu.vector_store %arg10[%swap3A_442, %swap3A_443, %swap3A_444], %swap3A_447 {add = true, strides = array<i32>} : memref<2x96x128xf32, #tpu.memory_space<vmem>>, vector<1x1x16xf32>,
        %get3A_448 = arith.constant 0 : i32
        %get3A_449 = arith.index_cast %get3A_448 : i32 to index
        %get3A_450 = arith.index_cast %add3A_395 : i32 to index
        %get3A_451 = arith.constant 64 : index
        %get3A_452 = tpu.vector_load %arg9[%get3A_449, %get3A_450, %get3A_451] {strides = array<i32>} : memref<2x96x128xf32, #tpu.memory_space<vmem>>, vector<1x1x16xf32>,
        %get3A_453 = vector.shape_cast %get3A_452 : vector<1x1x16xf32> to vector<16xf32>
        %swap3A_454 = arith.constant 0 : i32
        %swap3A_455 = arith.index_cast %swap3A_454 : i32 to index
        %swap3A_456 = arith.index_cast %add3A_395 : i32 to index
        %swap3A_457 = arith.constant 64 : index
        %swap3A_458 = tpu.vector_load %arg10[%swap3A_455, %swap3A_456, %swap3A_457] {strides = array<i32>} : memref<2x96x128xf32, #tpu.memory_space<vmem>>, vector<1x1x16xf32>,
        %swap3A_459 = vector.shape_cast %swap3A_458 : vector<1x1x16xf32> to vector<16xf32>
        %swap3A_460 = vector.shape_cast %get3A_453 : vector<16xf32> to vector<1x1x16xf32>
        tpu.vector_store %arg10[%swap3A_455, %swap3A_456, %swap3A_457], %swap3A_460 {add = true, strides = array<i32>} : memref<2x96x128xf32, #tpu.memory_space<vmem>>, vector<1x1x16xf32>,
        %get3A_461 = arith.constant 0 : i32
        %get3A_462 = arith.index_cast %get3A_461 : i32 to index
        %get3A_463 = arith.index_cast %add3A_395 : i32 to index
        %get3A_464 = arith.constant 80 : index
        %get3A_465 = tpu.vector_load %arg9[%get3A_462, %get3A_463, %get3A_464] {strides = array<i32>} : memref<2x96x128xf32, #tpu.memory_space<vmem>>, vector<1x1x16xf32>,
        %get3A_466 = vector.shape_cast %get3A_465 : vector<1x1x16xf32> to vector<16xf32>
        %swap3A_467 = arith.constant 0 : i32
        %swap3A_468 = arith.index_cast %swap3A_467 : i32 to index
        %swap3A_469 = arith.index_cast %add3A_395 : i32 to index
        %swap3A_470 = arith.constant 80 : index
        %swap3A_471 = tpu.vector_load %arg10[%swap3A_468, %swap3A_469, %swap3A_470] {strides = array<i32>} : memref<2x96x128xf32, #tpu.memory_space<vmem>>, vector<1x1x16xf32>,
        %swap3A_472 = vector.shape_cast %swap3A_471 : vector<1x1x16xf32> to vector<16xf32>
        %swap3A_473 = vector.shape_cast %get3A_466 : vector<16xf32> to vector<1x1x16xf32>
        tpu.vector_store %arg10[%swap3A_468, %swap3A_469, %swap3A_470], %swap3A_473 {add = true, strides = array<i32>} : memref<2x96x128xf32, #tpu.memory_space<vmem>>, vector<1x1x16xf32>,
        %get3A_474 = arith.constant 0 : i32
        %get3A_475 = arith.index_cast %get3A_474 : i32 to index
        %get3A_476 = arith.index_cast %add3A_395 : i32 to index
        %get3A_477 = arith.constant 96 : index
        %get3A_478 = tpu.vector_load %arg9[%get3A_475, %get3A_476, %get3A_477] {strides = array<i32>} : memref<2x96x128xf32, #tpu.memory_space<vmem>>, vector<1x1x16xf32>,
        %get3A_479 = vector.shape_cast %get3A_478 : vector<1x1x16xf32> to vector<16xf32>
        %swap3A_480 = arith.constant 0 : i32
        %swap3A_481 = arith.index_cast %swap3A_480 : i32 to index
        %swap3A_482 = arith.index_cast %add3A_395 : i32 to index
        %swap3A_483 = arith.constant 96 : index
        %swap3A_484 = tpu.vector_load %arg10[%swap3A_481, %swap3A_482, %swap3A_483] {strides = array<i32>} : memref<2x96x128xf32, #tpu.memory_space<vmem>>, vector<1x1x16xf32>,
        %swap3A_485 = vector.shape_cast %swap3A_484 : vector<1x1x16xf32> to vector<16xf32>
        %swap3A_486 = vector.shape_cast %get3A_479 : vector<16xf32> to vector<1x1x16xf32>
        tpu.vector_store %arg10[%swap3A_481, %swap3A_482, %swap3A_483], %swap3A_486 {add = true, strides = array<i32>} : memref<2x96x128xf32, #tpu.memory_space<vmem>>, vector<1x1x16xf32>,
        %get3A_487 = arith.constant 0 : i32
        %get3A_488 = arith.index_cast %get3A_487 : i32 to index
        %get3A_489 = arith.index_cast %add3A_395 : i32 to index
        %get3A_490 = arith.constant 112 : index
        %get3A_491 = tpu.vector_load %arg9[%get3A_488, %get3A_489, %get3A_490] {strides = array<i32>} : memref<2x96x128xf32, #tpu.memory_space<vmem>>, vector<1x1x16xf32>,
        %get3A_492 = vector.shape_cast %get3A_491 : vector<1x1x16xf32> to vector<16xf32>
        %swap3A_493 = arith.constant 0 : i32
        %swap3A_494 = arith.index_cast %swap3A_493 : i32 to index
        %swap3A_495 = arith.index_cast %add3A_395 : i32 to index
        %swap3A_496 = arith.constant 112 : index
        %swap3A_497 = tpu.vector_load %arg10[%swap3A_494, %swap3A_495, %swap3A_496] {strides = array<i32>} : memref<2x96x128xf32, #tpu.memory_space<vmem>>, vector<1x1x16xf32>,
        %swap3A_498 = vector.shape_cast %swap3A_497 : vector<1x1x16xf32> to vector<16xf32>
        %swap3A_499 = vector.shape_cast %get3A_492 : vector<16xf32> to vector<1x1x16xf32>
        tpu.vector_store %arg10[%swap3A_494, %swap3A_495, %swap3A_496], %swap3A_499 {add = true, strides = array<i32>} : memref<2x96x128xf32, #tpu.memory_space<vmem>>, vector<1x1x16xf32>,
        %mul3A_500 = arith.constant 4 : i32
        %mul3A_501 = arith.muli %mul3A_500, %scan3A_285 : i32
        %add3A_502 = arith.constant 2 : i32
        %add3A_503 = arith.addi %mul3A_501, %add3A_502 : i32
        %get3A_504 = arith.constant 0 : i32
        %get3A_505 = arith.index_cast %get3A_504 : i32 to index
        %get3A_506 = arith.index_cast %add3A_503 : i32 to index
        %get3A_507 = arith.constant 0 : index
        %get3A_508 = tpu.vector_load %arg9[%get3A_505, %get3A_506, %get3A_507] {strides = array<i32>} : memref<2x96x128xf32, #tpu.memory_space<vmem>>, vector<1x1x16xf32>,
        %get3A_509 = vector.shape_cast %get3A_508 : vector<1x1x16xf32> to vector<16xf32>
        %swap3A_510 = arith.constant 0 : i32
        %swap3A_511 = arith.index_cast %swap3A_510 : i32 to index
        %swap3A_512 = arith.index_cast %add3A_503 : i32 to index
        %swap3A_513 = arith.constant 0 : index
        %swap3A_514 = tpu.vector_load %arg10[%swap3A_511, %swap3A_512, %swap3A_513] {strides = array<i32>} : memref<2x96x128xf32, #tpu.memory_space<vmem>>, vector<1x1x16xf32>,
        %swap3A_515 = vector.shape_cast %swap3A_514 : vector<1x1x16xf32> to vector<16xf32>
        %swap3A_516 = vector.shape_cast %get3A_509 : vector<16xf32> to vector<1x1x16xf32>
        tpu.vector_store %arg10[%swap3A_511, %swap3A_512, %swap3A_513], %swap3A_516 {add = true, strides = array<i32>} : memref<2x96x128xf32, #tpu.memory_space<vmem>>, vector<1x1x16xf32>,
        %get3A_517 = arith.constant 0 : i32
        %get3A_518 = arith.index_cast %get3A_517 : i32 to index
        %get3A_519 = arith.index_cast %add3A_503 : i32 to index
        %get3A_520 = arith.constant 16 : index
        %get3A_521 = tpu.vector_load %arg9[%get3A_518, %get3A_519, %get3A_520] {strides = array<i32>} : memref<2x96x128xf32, #tpu.memory_space<vmem>>, vector<1x1x16xf32>,
        %get3A_522 = vector.shape_cast %get3A_521 : vector<1x1x16xf32> to vector<16xf32>
        %swap3A_523 = arith.constant 0 : i32
        %swap3A_524 = arith.index_cast %swap3A_523 : i32 to index
        %swap3A_525 = arith.index_cast %add3A_503 : i32 to index
        %swap3A_526 = arith.constant 16 : index
        %swap3A_527 = tpu.vector_load %arg10[%swap3A_524, %swap3A_525, %swap3A_526] {strides = array<i32>} : memref<2x96x128xf32, #tpu.memory_space<vmem>>, vector<1x1x16xf32>,
        %swap3A_528 = vector.shape_cast %swap3A_527 : vector<1x1x16xf32> to vector<16xf32>
        %swap3A_529 = vector.shape_cast %get3A_522 : vector<16xf32> to vector<1x1x16xf32>
        tpu.vector_store %arg10[%swap3A_524, %swap3A_525, %swap3A_526], %swap3A_529 {add = true, strides = array<i32>} : memref<2x96x128xf32, #tpu.memory_space<vmem>>, vector<1x1x16xf32>,
        %get3A_530 = arith.constant 0 : i32
        %get3A_531 = arith.index_cast %get3A_530 : i32 to index
        %get3A_532 = arith.index_cast %add3A_503 : i32 to index
        %get3A_533 = arith.constant 32 : index
        %get3A_534 = tpu.vector_load %arg9[%get3A_531, %get3A_532, %get3A_533] {strides = array<i32>} : memref<2x96x128xf32, #tpu.memory_space<vmem>>, vector<1x1x16xf32>,
        %get3A_535 = vector.shape_cast %get3A_534 : vector<1x1x16xf32> to vector<16xf32>
        %swap3A_536 = arith.constant 0 : i32
        %swap3A_537 = arith.index_cast %swap3A_536 : i32 to index
        %swap3A_538 = arith.index_cast %add3A_503 : i32 to index
        %swap3A_539 = arith.constant 32 : index
        %swap3A_540 = tpu.vector_load %arg10[%swap3A_537, %swap3A_538, %swap3A_539] {strides = array<i32>} : memref<2x96x128xf32, #tpu.memory_space<vmem>>, vector<1x1x16xf32>,
        %swap3A_541 = vector.shape_cast %swap3A_540 : vector<1x1x16xf32> to vector<16xf32>
        %swap3A_542 = vector.shape_cast %get3A_535 : vector<16xf32> to vector<1x1x16xf32>
        tpu.vector_store %arg10[%swap3A_537, %swap3A_538, %swap3A_539], %swap3A_542 {add = true, strides = array<i32>} : memref<2x96x128xf32, #tpu.memory_space<vmem>>, vector<1x1x16xf32>,
        %get3A_543 = arith.constant 0 : i32
        %get3A_544 = arith.index_cast %get3A_543 : i32 to index
        %get3A_545 = arith.index_cast %add3A_503 : i32 to index
        %get3A_546 = arith.constant 48 : index
        %get3A_547 = tpu.vector_load %arg9[%get3A_544, %get3A_545, %get3A_546] {strides = array<i32>} : memref<2x96x128xf32, #tpu.memory_space<vmem>>, vector<1x1x16xf32>,
        %get3A_548 = vector.shape_cast %get3A_547 : vector<1x1x16xf32> to vector<16xf32>
        %swap3A_549 = arith.constant 0 : i32
        %swap3A_550 = arith.index_cast %swap3A_549 : i32 to index
        %swap3A_551 = arith.index_cast %add3A_503 : i32 to index
        %swap3A_552 = arith.constant 48 : index
        %swap3A_553 = tpu.vector_load %arg10[%swap3A_550, %swap3A_551, %swap3A_552] {strides = array<i32>} : memref<2x96x128xf32, #tpu.memory_space<vmem>>, vector<1x1x16xf32>,
        %swap3A_554 = vector.shape_cast %swap3A_553 : vector<1x1x16xf32> to vector<16xf32>
        %swap3A_555 = vector.shape_cast %get3A_548 : vector<16xf32> to vector<1x1x16xf32>
        tpu.vector_store %arg10[%swap3A_550, %swap3A_551, %swap3A_552], %swap3A_555 {add = true, strides = array<i32>} : memref<2x96x128xf32, #tpu.memory_space<vmem>>, vector<1x1x16xf32>,
        %get3A_556 = arith.constant 0 : i32
        %get3A_557 = arith.index_cast %get3A_556 : i32 to index
        %get3A_558 = arith.index_cast %add3A_503 : i32 to index
        %get3A_559 = arith.constant 64 : index
        %get3A_560 = tpu.vector_load %arg9[%get3A_557, %get3A_558, %get3A_559] {strides = array<i32>} : memref<2x96x128xf32, #tpu.memory_space<vmem>>, vector<1x1x16xf32>,
        %get3A_561 = vector.shape_cast %get3A_560 : vector<1x1x16xf32> to vector<16xf32>
        %swap3A_562 = arith.constant 0 : i32
        %swap3A_563 = arith.index_cast %swap3A_562 : i32 to index
        %swap3A_564 = arith.index_cast %add3A_503 : i32 to index
        %swap3A_565 = arith.constant 64 : index
        %swap3A_566 = tpu.vector_load %arg10[%swap3A_563, %swap3A_564, %swap3A_565] {strides = array<i32>} : memref<2x96x128xf32, #tpu.memory_space<vmem>>, vector<1x1x16xf32>,
        %swap3A_567 = vector.shape_cast %swap3A_566 : vector<1x1x16xf32> to vector<16xf32>
        %swap3A_568 = vector.shape_cast %get3A_561 : vector<16xf32> to vector<1x1x16xf32>
        tpu.vector_store %arg10[%swap3A_563, %swap3A_564, %swap3A_565], %swap3A_568 {add = true, strides = array<i32>} : memref<2x96x128xf32, #tpu.memory_space<vmem>>, vector<1x1x16xf32>,
        %get3A_569 = arith.constant 0 : i32
        %get3A_570 = arith.index_cast %get3A_569 : i32 to index
        %get3A_571 = arith.index_cast %add3A_503 : i32 to index
        %get3A_572 = arith.constant 80 : index
        %get3A_573 = tpu.vector_load %arg9[%get3A_570, %get3A_571, %get3A_572] {strides = array<i32>} : memref<2x96x128xf32, #tpu.memory_space<vmem>>, vector<1x1x16xf32>,
        %get3A_574 = vector.shape_cast %get3A_573 : vector<1x1x16xf32> to vector<16xf32>
        %swap3A_575 = arith.constant 0 : i32
        %swap3A_576 = arith.index_cast %swap3A_575 : i32 to index
        %swap3A_577 = arith.index_cast %add3A_503 : i32 to index
        %swap3A_578 = arith.constant 80 : index
        %swap3A_579 = tpu.vector_load %arg10[%swap3A_576, %swap3A_577, %swap3A_578] {strides = array<i32>} : memref<2x96x128xf32, #tpu.memory_space<vmem>>, vector<1x1x16xf32>,
        %swap3A_580 = vector.shape_cast %swap3A_579 : vector<1x1x16xf32> to vector<16xf32>
        %swap3A_581 = vector.shape_cast %get3A_574 : vector<16xf32> to vector<1x1x16xf32>
        tpu.vector_store %arg10[%swap3A_576, %swap3A_577, %swap3A_578], %swap3A_581 {add = true, strides = array<i32>} : memref<2x96x128xf32, #tpu.memory_space<vmem>>, vector<1x1x16xf32>,
        %get3A_582 = arith.constant 0 : i32
        %get3A_583 = arith.index_cast %get3A_582 : i32 to index
        %get3A_584 = arith.index_cast %add3A_503 : i32 to index
        %get3A_585 = arith.constant 96 : index
        %get3A_586 = tpu.vector_load %arg9[%get3A_583, %get3A_584, %get3A_585] {strides = array<i32>} : memref<2x96x128xf32, #tpu.memory_space<vmem>>, vector<1x1x16xf32>,
        %get3A_587 = vector.shape_cast %get3A_586 : vector<1x1x16xf32> to vector<16xf32>
        %swap3A_588 = arith.constant 0 : i32
        %swap3A_589 = arith.index_cast %swap3A_588 : i32 to index
        %swap3A_590 = arith.index_cast %add3A_503 : i32 to index
        %swap3A_591 = arith.constant 96 : index
        %swap3A_592 = tpu.vector_load %arg10[%swap3A_589, %swap3A_590, %swap3A_591] {strides = array<i32>} : memref<2x96x128xf32, #tpu.memory_space<vmem>>, vector<1x1x16xf32>,
        %swap3A_593 = vector.shape_cast %swap3A_592 : vector<1x1x16xf32> to vector<16xf32>
        %swap3A_594 = vector.shape_cast %get3A_587 : vector<16xf32> to vector<1x1x16xf32>
        tpu.vector_store %arg10[%swap3A_589, %swap3A_590, %swap3A_591], %swap3A_594 {add = true, strides = array<i32>} : memref<2x96x128xf32, #tpu.memory_space<vmem>>, vector<1x1x16xf32>,
        %get3A_595 = arith.constant 0 : i32
        %get3A_596 = arith.index_cast %get3A_595 : i32 to index
        %get3A_597 = arith.index_cast %add3A_503 : i32 to index
        %get3A_598 = arith.constant 112 : index
        %get3A_599 = tpu.vector_load %arg9[%get3A_596, %get3A_597, %get3A_598] {strides = array<i32>} : memref<2x96x128xf32, #tpu.memory_space<vmem>>, vector<1x1x16xf32>,
        %get3A_600 = vector.shape_cast %get3A_599 : vector<1x1x16xf32> to vector<16xf32>
        %swap3A_601 = arith.constant 0 : i32
        %swap3A_602 = arith.index_cast %swap3A_601 : i32 to index
        %swap3A_603 = arith.index_cast %add3A_503 : i32 to index
        %swap3A_604 = arith.constant 112 : index
        %swap3A_605 = tpu.vector_load %arg10[%swap3A_602, %swap3A_603, %swap3A_604] {strides = array<i32>} : memref<2x96x128xf32, #tpu.memory_space<vmem>>, vector<1x1x16xf32>,
        %swap3A_606 = vector.shape_cast %swap3A_605 : vector<1x1x16xf32> to vector<16xf32>
        %swap3A_607 = vector.shape_cast %get3A_600 : vector<16xf32> to vector<1x1x16xf32>
        tpu.vector_store %arg10[%swap3A_602, %swap3A_603, %swap3A_604], %swap3A_607 {add = true, strides = array<i32>} : memref<2x96x128xf32, #tpu.memory_space<vmem>>, vector<1x1x16xf32>,
        %mul3A_608 = arith.constant 4 : i32
        %mul3A_609 = arith.muli %mul3A_608, %scan3A_285 : i32
        %add3A_610 = arith.constant 3 : i32
        %add3A_611 = arith.addi %mul3A_609, %add3A_610 : i32
        %get3A_612 = arith.constant 0 : i32
        %get3A_613 = arith.index_cast %get3A_612 : i32 to index
        %get3A_614 = arith.index_cast %add3A_611 : i32 to index
        %get3A_615 = arith.constant 0 : index
        %get3A_616 = tpu.vector_load %arg9[%get3A_613, %get3A_614, %get3A_615] {strides = array<i32>} : memref<2x96x128xf32, #tpu.memory_space<vmem>>, vector<1x1x16xf32>,
        %get3A_617 = vector.shape_cast %get3A_616 : vector<1x1x16xf32> to vector<16xf32>
        %swap3A_618 = arith.constant 0 : i32
        %swap3A_619 = arith.index_cast %swap3A_618 : i32 to index
        %swap3A_620 = arith.index_cast %add3A_611 : i32 to index
        %swap3A_621 = arith.constant 0 : index
        %swap3A_622 = tpu.vector_load %arg10[%swap3A_619, %swap3A_620, %swap3A_621] {strides = array<i32>} : memref<2x96x128xf32, #tpu.memory_space<vmem>>, vector<1x1x16xf32>,
        %swap3A_623 = vector.shape_cast %swap3A_622 : vector<1x1x16xf32> to vector<16xf32>
        %swap3A_624 = vector.shape_cast %get3A_617 : vector<16xf32> to vector<1x1x16xf32>
        tpu.vector_store %arg10[%swap3A_619, %swap3A_620, %swap3A_621], %swap3A_624 {add = true, strides = array<i32>} : memref<2x96x128xf32, #tpu.memory_space<vmem>>, vector<1x1x16xf32>,
        %get3A_625 = arith.constant 0 : i32
        %get3A_626 = arith.index_cast %get3A_625 : i32 to index
        %get3A_627 = arith.index_cast %add3A_611 : i32 to index
        %get3A_628 = arith.constant 16 : index
        %get3A_629 = tpu.vector_load %arg9[%get3A_626, %get3A_627, %get3A_628] {strides = array<i32>} : memref<2x96x128xf32, #tpu.memory_space<vmem>>, vector<1x1x16xf32>,
        %get3A_630 = vector.shape_cast %get3A_629 : vector<1x1x16xf32> to vector<16xf32>
        %swap3A_631 = arith.constant 0 : i32
        %swap3A_632 = arith.index_cast %swap3A_631 : i32 to index
        %swap3A_633 = arith.index_cast %add3A_611 : i32 to index
        %swap3A_634 = arith.constant 16 : index
        %swap3A_635 = tpu.vector_load %arg10[%swap3A_632, %swap3A_633, %swap3A_634] {strides = array<i32>} : memref<2x96x128xf32, #tpu.memory_space<vmem>>, vector<1x1x16xf32>,
        %swap3A_636 = vector.shape_cast %swap3A_635 : vector<1x1x16xf32> to vector<16xf32>
        %swap3A_637 = vector.shape_cast %get3A_630 : vector<16xf32> to vector<1x1x16xf32>
        tpu.vector_store %arg10[%swap3A_632, %swap3A_633, %swap3A_634], %swap3A_637 {add = true, strides = array<i32>} : memref<2x96x128xf32, #tpu.memory_space<vmem>>, vector<1x1x16xf32>,
        %get3A_638 = arith.constant 0 : i32
        %get3A_639 = arith.index_cast %get3A_638 : i32 to index
        %get3A_640 = arith.index_cast %add3A_611 : i32 to index
        %get3A_641 = arith.constant 32 : index
        %get3A_642 = tpu.vector_load %arg9[%get3A_639, %get3A_640, %get3A_641] {strides = array<i32>} : memref<2x96x128xf32, #tpu.memory_space<vmem>>, vector<1x1x16xf32>,
        %get3A_643 = vector.shape_cast %get3A_642 : vector<1x1x16xf32> to vector<16xf32>
        %swap3A_644 = arith.constant 0 : i32
        %swap3A_645 = arith.index_cast %swap3A_644 : i32 to index
        %swap3A_646 = arith.index_cast %add3A_611 : i32 to index
        %swap3A_647 = arith.constant 32 : index
        %swap3A_648 = tpu.vector_load %arg10[%swap3A_645, %swap3A_646, %swap3A_647] {strides = array<i32>} : memref<2x96x128xf32, #tpu.memory_space<vmem>>, vector<1x1x16xf32>,
        %swap3A_649 = vector.shape_cast %swap3A_648 : vector<1x1x16xf32> to vector<16xf32>
        %swap3A_650 = vector.shape_cast %get3A_643 : vector<16xf32> to vector<1x1x16xf32>
        tpu.vector_store %arg10[%swap3A_645, %swap3A_646, %swap3A_647], %swap3A_650 {add = true, strides = array<i32>} : memref<2x96x128xf32, #tpu.memory_space<vmem>>, vector<1x1x16xf32>,
        %get3A_651 = arith.constant 0 : i32
        %get3A_652 = arith.index_cast %get3A_651 : i32 to index
        %get3A_653 = arith.index_cast %add3A_611 : i32 to index
        %get3A_654 = arith.constant 48 : index
        %get3A_655 = tpu.vector_load %arg9[%get3A_652, %get3A_653, %get3A_654] {strides = array<i32>} : memref<2x96x128xf32, #tpu.memory_space<vmem>>, vector<1x1x16xf32>,
        %get3A_656 = vector.shape_cast %get3A_655 : vector<1x1x16xf32> to vector<16xf32>
        %swap3A_657 = arith.constant 0 : i32
        %swap3A_658 = arith.index_cast %swap3A_657 : i32 to index
        %swap3A_659 = arith.index_cast %add3A_611 : i32 to index
        %swap3A_660 = arith.constant 48 : index
        %swap3A_661 = tpu.vector_load %arg10[%swap3A_658, %swap3A_659, %swap3A_660] {strides = array<i32>} : memref<2x96x128xf32, #tpu.memory_space<vmem>>, vector<1x1x16xf32>,
        %swap3A_662 = vector.shape_cast %swap3A_661 : vector<1x1x16xf32> to vector<16xf32>
        %swap3A_663 = vector.shape_cast %get3A_656 : vector<16xf32> to vector<1x1x16xf32>
        tpu.vector_store %arg10[%swap3A_658, %swap3A_659, %swap3A_660], %swap3A_663 {add = true, strides = array<i32>} : memref<2x96x128xf32, #tpu.memory_space<vmem>>, vector<1x1x16xf32>,
        %get3A_664 = arith.constant 0 : i32
        %get3A_665 = arith.index_cast %get3A_664 : i32 to index
        %get3A_666 = arith.index_cast %add3A_611 : i32 to index
        %get3A_667 = arith.constant 64 : index
        %get3A_668 = tpu.vector_load %arg9[%get3A_665, %get3A_666, %get3A_667] {strides = array<i32>} : memref<2x96x128xf32, #tpu.memory_space<vmem>>, vector<1x1x16xf32>,
        %get3A_669 = vector.shape_cast %get3A_668 : vector<1x1x16xf32> to vector<16xf32>
        %swap3A_670 = arith.constant 0 : i32
        %swap3A_671 = arith.index_cast %swap3A_670 : i32 to index
        %swap3A_672 = arith.index_cast %add3A_611 : i32 to index
        %swap3A_673 = arith.constant 64 : index
        %swap3A_674 = tpu.vector_load %arg10[%swap3A_671, %swap3A_672, %swap3A_673] {strides = array<i32>} : memref<2x96x128xf32, #tpu.memory_space<vmem>>, vector<1x1x16xf32>,
        %swap3A_675 = vector.shape_cast %swap3A_674 : vector<1x1x16xf32> to vector<16xf32>
        %swap3A_676 = vector.shape_cast %get3A_669 : vector<16xf32> to vector<1x1x16xf32>
        tpu.vector_store %arg10[%swap3A_671, %swap3A_672, %swap3A_673], %swap3A_676 {add = true, strides = array<i32>} : memref<2x96x128xf32, #tpu.memory_space<vmem>>, vector<1x1x16xf32>,
        %get3A_677 = arith.constant 0 : i32
        %get3A_678 = arith.index_cast %get3A_677 : i32 to index
        %get3A_679 = arith.index_cast %add3A_611 : i32 to index
        %get3A_680 = arith.constant 80 : index
        %get3A_681 = tpu.vector_load %arg9[%get3A_678, %get3A_679, %get3A_680] {strides = array<i32>} : memref<2x96x128xf32, #tpu.memory_space<vmem>>, vector<1x1x16xf32>,
        %get3A_682 = vector.shape_cast %get3A_681 : vector<1x1x16xf32> to vector<16xf32>
        %swap3A_683 = arith.constant 0 : i32
        %swap3A_684 = arith.index_cast %swap3A_683 : i32 to index
        %swap3A_685 = arith.index_cast %add3A_611 : i32 to index
        %swap3A_686 = arith.constant 80 : index
        %swap3A_687 = tpu.vector_load %arg10[%swap3A_684, %swap3A_685, %swap3A_686] {strides = array<i32>} : memref<2x96x128xf32, #tpu.memory_space<vmem>>, vector<1x1x16xf32>,
        %swap3A_688 = vector.shape_cast %swap3A_687 : vector<1x1x16xf32> to vector<16xf32>
        %swap3A_689 = vector.shape_cast %get3A_682 : vector<16xf32> to vector<1x1x16xf32>
        tpu.vector_store %arg10[%swap3A_684, %swap3A_685, %swap3A_686], %swap3A_689 {add = true, strides = array<i32>} : memref<2x96x128xf32, #tpu.memory_space<vmem>>, vector<1x1x16xf32>,
        %get3A_690 = arith.constant 0 : i32
        %get3A_691 = arith.index_cast %get3A_690 : i32 to index
        %get3A_692 = arith.index_cast %add3A_611 : i32 to index
        %get3A_693 = arith.constant 96 : index
        %get3A_694 = tpu.vector_load %arg9[%get3A_691, %get3A_692, %get3A_693] {strides = array<i32>} : memref<2x96x128xf32, #tpu.memory_space<vmem>>, vector<1x1x16xf32>,
        %get3A_695 = vector.shape_cast %get3A_694 : vector<1x1x16xf32> to vector<16xf32>
        %swap3A_696 = arith.constant 0 : i32
        %swap3A_697 = arith.index_cast %swap3A_696 : i32 to index
        %swap3A_698 = arith.index_cast %add3A_611 : i32 to index
        %swap3A_699 = arith.constant 96 : index
        %swap3A_700 = tpu.vector_load %arg10[%swap3A_697, %swap3A_698, %swap3A_699] {strides = array<i32>} : memref<2x96x128xf32, #tpu.memory_space<vmem>>, vector<1x1x16xf32>,
        %swap3A_701 = vector.shape_cast %swap3A_700 : vector<1x1x16xf32> to vector<16xf32>
        %swap3A_702 = vector.shape_cast %get3A_695 : vector<16xf32> to vector<1x1x16xf32>
        tpu.vector_store %arg10[%swap3A_697, %swap3A_698, %swap3A_699], %swap3A_702 {add = true, strides = array<i32>} : memref<2x96x128xf32, #tpu.memory_space<vmem>>, vector<1x1x16xf32>,
        %get3A_703 = arith.constant 0 : i32
        %get3A_704 = arith.index_cast %get3A_703 : i32 to index
        %get3A_705 = arith.index_cast %add3A_611 : i32 to index
        %get3A_706 = arith.constant 112 : index
        %get3A_707 = tpu.vector_load %arg9[%get3A_704, %get3A_705, %get3A_706] {strides = array<i32>} : memref<2x96x128xf32, #tpu.memory_space<vmem>>, vector<1x1x16xf32>,
        %get3A_708 = vector.shape_cast %get3A_707 : vector<1x1x16xf32> to vector<16xf32>
        %swap3A_709 = arith.constant 0 : i32
        %swap3A_710 = arith.index_cast %swap3A_709 : i32 to index
        %swap3A_711 = arith.index_cast %add3A_611 : i32 to index
        %swap3A_712 = arith.constant 112 : index
        %swap3A_713 = tpu.vector_load %arg10[%swap3A_710, %swap3A_711, %swap3A_712] {strides = array<i32>} : memref<2x96x128xf32, #tpu.memory_space<vmem>>, vector<1x1x16xf32>,
        %swap3A_714 = vector.shape_cast %swap3A_713 : vector<1x1x16xf32> to vector<16xf32>
        %swap3A_715 = vector.shape_cast %get3A_708 : vector<16xf32> to vector<1x1x16xf32>
        tpu.vector_store %arg10[%swap3A_710, %swap3A_711, %swap3A_712], %swap3A_715 {add = true, strides = array<i32>} : memref<2x96x128xf32, #tpu.memory_space<vmem>>, vector<1x1x16xf32>,
      }
      %scan3A_204 = arith.constant 24 : i32
      %mul3A_205 = arith.constant 96 : i32
      %mul3A_206 = arith.muli %mul3A_76, %mul3A_205 : i32
      %add3A_207 = arith.addi %multiple_of3A, %mul3A_206 : i32
      %dma_start3A_208 = arith.constant 0 : i32
      %dma_start3A_209 = arith.constant 0 : i32
      %dma_start3A_210 = arith.constant 0 : i32
      %dma_start3A_211 = tpu.memref_slice %arg10[%dma_start3A_208, %dma_start3A_209, %dma_start3A_210] : memref<2x96x128xf32, #tpu.memory_space<vmem>> -> memref<1x96x128xf32, #tpu.memory_space<vmem>>
      %dma_start3A_212 = tpu.memref_squeeze %dma_start3A_211 : memref<1x96x128xf32, #tpu.memory_space<vmem>> -> memref<96x128xf32, #tpu.memory_space<vmem>>
      %dma_start3A_213 = arith.constant 0 : i32
      %dma_start3A_214 = tpu.memref_slice %arg5[%add3A_207, %dma_start3A_213] : memref<262176x128xf32, #tpu.memory_space<hbm>> -> memref<96x128xf32, #tpu.memory_space<hbm>>
      %dma_start3A_215 = arith.constant 0 : i32
      %dma_start3A_216 = tpu.memref_slice %arg5[%add3A_207, %dma_start3A_215] : memref<262176x128xf32, #tpu.memory_space<hbm>> -> memref<96x128xf32, #tpu.memory_space<hbm>>
      %dma_start3A_217 = arith.constant 0 : i32
      %dma_start3A_218 = arith.constant 0 : i32
      %dma_start3A_219 = tpu.memref_slice %arg10[%dma_start3A_208, %dma_start3A_217, %dma_start3A_218] : memref<2x96x128xf32, #tpu.memory_space<vmem>> -> memref<1x96x128xf32, #tpu.memory_space<vmem>>
      %dma_start3A_220 = tpu.memref_squeeze %dma_start3A_219 : memref<1x96x128xf32, #tpu.memory_space<vmem>> -> memref<96x128xf32, #tpu.memory_space<vmem>>
      tpu.enqueue_dma source(%dma_start3A_220 : memref<96x128xf32, #tpu.memory_space<vmem>>) target(%dma_start3A_216 : memref<96x128xf32, #tpu.memory_space<hbm>>) target_semaphore(%arg16 : memref<!tpu.dma_semaphore, #tpu.memory_space<semaphore_mem>>)
      %dma_wait3A_221 = arith.constant 1 : i32
      %dma_wait3A_222 = arith.constant 0 : i32
      %dma_wait3A_223 = arith.constant 0 : i32
      %dma_wait3A_224 = tpu.memref_slice %arg9[%dma_wait3A_221, %dma_wait3A_222, %dma_wait3A_223] : memref<2x96x128xf32, #tpu.memory_space<vmem>> -> memref<1x96x128xf32, #tpu.memory_space<vmem>>
      %dma_wait3A_225 = tpu.memref_squeeze %dma_wait3A_224 : memref<1x96x128xf32, #tpu.memory_space<vmem>> -> memref<96x128xf32, #tpu.memory_space<vmem>>
      %dma_wait3A_226 = tpu.memref_slice %arg8[%add3A_138] : memref<384xi32, #tpu.memory_space<vmem>> -> memref<96xi32, #tpu.memory_space<vmem>>
      %dma_wait3A_227 = arith.constant 0 : i32
      %dma_wait3A_228 = arith.constant 0 : i32
      %dma_wait3A_229 = tpu.memref_slice %arg7[%dma_wait3A_227, %dma_wait3A_228] : memref<10000x128xf32, #tpu.memory_space<vmem_shared>> -> memref<10000x128xf32, #tpu.memory_space<vmem_shared>>
      tpu.wait_indirect_dma semaphore(%arg13 : memref<!tpu.dma_semaphore, #tpu.memory_space<semaphore_mem>>) src(%dma_wait3A_229 : memref<10000x128xf32, #tpu.memory_space<vmem_shared>>) dst(%dma_wait3A_225 : memref<96x128xf32, #tpu.memory_space<vmem>>)
      %add3A_230 = arith.constant 1 : i32
      %add3A_231 = arith.addi %mul3A_76, %add3A_230 : i32
      %mul3A_232 = arith.constant 96 : i32
      %mul3A_233 = arith.muli %add3A_231, %mul3A_232 : i32
      %add3A_234 = arith.addi %multiple_of3A, %mul3A_233 : i32
      %dma_start3A_235 = arith.constant 1 : i32
      %dma_start3A_236 = arith.constant 0 : i32
      %dma_start3A_237 = arith.constant 0 : i32
      %dma_start3A_238 = tpu.memref_slice %arg9[%dma_start3A_235, %dma_start3A_236, %dma_start3A_237] : memref<2x96x128xf32, #tpu.memory_space<vmem>> -> memref<1x96x128xf32, #tpu.memory_space<vmem>>
      %dma_start3A_239 = tpu.memref_squeeze %dma_start3A_238 : memref<1x96x128xf32, #tpu.memory_space<vmem>> -> memref<96x128xf32, #tpu.memory_space<vmem>>
      %dma_start3A_240 = arith.constant 0 : i32
      %dma_start3A_241 = tpu.memref_slice %arg6[%add3A_234, %dma_start3A_240] : memref<262176x128xf32, #tpu.memory_space<hbm>> -> memref<96x128xf32, #tpu.memory_space<hbm>>
      %dma_start3A_242 = arith.constant 0 : i32
      %dma_start3A_243 = tpu.memref_slice %arg6[%add3A_234, %dma_start3A_242] : memref<262176x128xf32, #tpu.memory_space<hbm>> -> memref<96x128xf32, #tpu.memory_space<hbm>>
      %dma_start3A_244 = arith.constant 0 : i32
      %dma_start3A_245 = arith.constant 0 : i32
      %dma_start3A_246 = tpu.memref_slice %arg9[%dma_start3A_235, %dma_start3A_244, %dma_start3A_245] : memref<2x96x128xf32, #tpu.memory_space<vmem>> -> memref<1x96x128xf32, #tpu.memory_space<vmem>>
      %dma_start3A_247 = tpu.memref_squeeze %dma_start3A_246 : memref<1x96x128xf32, #tpu.memory_space<vmem>> -> memref<96x128xf32, #tpu.memory_space<vmem>>
      tpu.enqueue_dma source(%dma_start3A_247 : memref<96x128xf32, #tpu.memory_space<vmem>>) target(%dma_start3A_243 : memref<96x128xf32, #tpu.memory_space<hbm>>) target_semaphore(%arg19 : memref<!tpu.dma_semaphore, #tpu.memory_space<semaphore_mem>>)
      %dma_wait3A_248 = arith.constant 1 : i32
      %dma_wait3A_249 = arith.constant 0 : i32
      %dma_wait3A_250 = arith.constant 0 : i32
      %dma_wait3A_251 = tpu.memref_slice %arg10[%dma_wait3A_248, %dma_wait3A_249, %dma_wait3A_250] : memref<2x96x128xf32, #tpu.memory_space<vmem>> -> memref<1x96x128xf32, #tpu.memory_space<vmem>>
      %dma_wait3A_252 = tpu.memref_squeeze %dma_wait3A_251 : memref<1x96x128xf32, #tpu.memory_space<vmem>> -> memref<96x128xf32, #tpu.memory_space<vmem>>
      %dma_wait3A_253 = arith.constant 0 : i32
      %dma_wait3A_254 = tpu.memref_slice %arg4[%add3A_132, %dma_wait3A_253] : memref<262176x128xf32, #tpu.memory_space<hbm>> -> memref<96x128xf32, #tpu.memory_space<hbm>>
      %dma_wait3A_255 = arith.constant 0 : i32
      %dma_wait3A_256 = arith.constant 0 : i32
      %dma_wait3A_257 = tpu.memref_slice %arg10[%dma_wait3A_248, %dma_wait3A_255, %dma_wait3A_256] : memref<2x96x128xf32, #tpu.memory_space<vmem>> -> memref<1x96x128xf32, #tpu.memory_space<vmem>>
      %dma_wait3A_258 = tpu.memref_squeeze %dma_wait3A_257 : memref<1x96x128xf32, #tpu.memory_space<vmem>> -> memref<96x128xf32, #tpu.memory_space<vmem>>
      %dma_wait3A_259 = arith.constant 0 : i32
      %dma_wait3A_260 = tpu.memref_slice %arg4[%add3A_132, %dma_wait3A_259] : memref<262176x128xf32, #tpu.memory_space<hbm>> -> memref<96x128xf32, #tpu.memory_space<hbm>>
      tpu.wait_dma2 semaphore(%arg15 : memref<!tpu.dma_semaphore, #tpu.memory_space<semaphore_mem>>) src(%dma_wait3A_260 : memref<96x128xf32, #tpu.memory_space<hbm>>) dst(%dma_wait3A_258 : memref<96x128xf32, #tpu.memory_space<vmem>>)
      %scan3A_261 = arith.constant 0 : i32
      %scan3A_262 = arith.constant 0 : i32
      %scan3A_263 = arith.constant 24 : i32
      %scan3A_264 = arith.addi %scan3A_262, %scan3A_263 : i32
      %scan3A_265 = arith.constant 1 : i32
      scf.for %scan3A_285 = %scan3A_262 to %scan3A_264 step %scan3A_265  : i32 {
        %mul3A_286 = arith.constant 4 : i32
        %mul3A_287 = arith.muli %mul3A_286, %scan3A_285 : i32
        %add3A_288 = arith.constant 0 : i32
        %add3A_289 = arith.addi %mul3A_287, %add3A_288 : i32
        %get3A = arith.constant 1 : i32
        %get3A_290 = arith.index_cast %get3A : i32 to index
        %get3A_291 = arith.index_cast %add3A_289 : i32 to index
        %get3A_292 = arith.constant 0 : index
        %get3A_293 = tpu.vector_load %arg9[%get3A_290, %get3A_291, %get3A_292] {strides = array<i32>} : memref<2x96x128xf32, #tpu.memory_space<vmem>>, vector<1x1x16xf32>,
        %get3A_294 = vector.shape_cast %get3A_293 : vector<1x1x16xf32> to vector<16xf32>
        %swap3A = arith.constant 1 : i32
        %swap3A_295 = arith.index_cast %swap3A : i32 to index
        %swap3A_296 = arith.index_cast %add3A_289 : i32 to index
        %swap3A_297 = arith.constant 0 : index
        %swap3A_298 = tpu.vector_load %arg10[%swap3A_295, %swap3A_296, %swap3A_297] {strides = array<i32>} : memref<2x96x128xf32, #tpu.memory_space<vmem>>, vector<1x1x16xf32>,
        %swap3A_299 = vector.shape_cast %swap3A_298 : vector<1x1x16xf32> to vector<16xf32>
        %swap3A_300 = vector.shape_cast %get3A_294 : vector<16xf32> to vector<1x1x16xf32>
        tpu.vector_store %arg10[%swap3A_295, %swap3A_296, %swap3A_297], %swap3A_300 {add = true, strides = array<i32>} : memref<2x96x128xf32, #tpu.memory_space<vmem>>, vector<1x1x16xf32>,
        %get3A_301 = arith.constant 1 : i32
        %get3A_302 = arith.index_cast %get3A_301 : i32 to index
        %get3A_303 = arith.index_cast %add3A_289 : i32 to index
        %get3A_304 = arith.constant 16 : index
        %get3A_305 = tpu.vector_load %arg9[%get3A_302, %get3A_303, %get3A_304] {strides = array<i32>} : memref<2x96x128xf32, #tpu.memory_space<vmem>>, vector<1x1x16xf32>,
        %get3A_306 = vector.shape_cast %get3A_305 : vector<1x1x16xf32> to vector<16xf32>
        %swap3A_307 = arith.constant 1 : i32
        %swap3A_308 = arith.index_cast %swap3A_307 : i32 to index
        %swap3A_309 = arith.index_cast %add3A_289 : i32 to index
        %swap3A_310 = arith.constant 16 : index
        %swap3A_311 = tpu.vector_load %arg10[%swap3A_308, %swap3A_309, %swap3A_310] {strides = array<i32>} : memref<2x96x128xf32, #tpu.memory_space<vmem>>, vector<1x1x16xf32>,
        %swap3A_312 = vector.shape_cast %swap3A_311 : vector<1x1x16xf32> to vector<16xf32>
        %swap3A_313 = vector.shape_cast %get3A_306 : vector<16xf32> to vector<1x1x16xf32>
        tpu.vector_store %arg10[%swap3A_308, %swap3A_309, %swap3A_310], %swap3A_313 {add = true, strides = array<i32>} : memref<2x96x128xf32, #tpu.memory_space<vmem>>, vector<1x1x16xf32>,
        %get3A_314 = arith.constant 1 : i32
        %get3A_315 = arith.index_cast %get3A_314 : i32 to index
        %get3A_316 = arith.index_cast %add3A_289 : i32 to index
        %get3A_317 = arith.constant 32 : index
        %get3A_318 = tpu.vector_load %arg9[%get3A_315, %get3A_316, %get3A_317] {strides = array<i32>} : memref<2x96x128xf32, #tpu.memory_space<vmem>>, vector<1x1x16xf32>,
        %get3A_319 = vector.shape_cast %get3A_318 : vector<1x1x16xf32> to vector<16xf32>
        %swap3A_320 = arith.constant 1 : i32
        %swap3A_321 = arith.index_cast %swap3A_320 : i32 to index
        %swap3A_322 = arith.index_cast %add3A_289 : i32 to index
        %swap3A_323 = arith.constant 32 : index
        %swap3A_324 = tpu.vector_load %arg10[%swap3A_321, %swap3A_322, %swap3A_323] {strides = array<i32>} : memref<2x96x128xf32, #tpu.memory_space<vmem>>, vector<1x1x16xf32>,
        %swap3A_325 = vector.shape_cast %swap3A_324 : vector<1x1x16xf32> to vector<16xf32>
        %swap3A_326 = vector.shape_cast %get3A_319 : vector<16xf32> to vector<1x1x16xf32>
        tpu.vector_store %arg10[%swap3A_321, %swap3A_322, %swap3A_323], %swap3A_326 {add = true, strides = array<i32>} : memref<2x96x128xf32, #tpu.memory_space<vmem>>, vector<1x1x16xf32>,
        %get3A_327 = arith.constant 1 : i32
        %get3A_328 = arith.index_cast %get3A_327 : i32 to index
        %get3A_329 = arith.index_cast %add3A_289 : i32 to index
        %get3A_330 = arith.constant 48 : index
        %get3A_331 = tpu.vector_load %arg9[%get3A_328, %get3A_329, %get3A_330] {strides = array<i32>} : memref<2x96x128xf32, #tpu.memory_space<vmem>>, vector<1x1x16xf32>,
        %get3A_332 = vector.shape_cast %get3A_331 : vector<1x1x16xf32> to vector<16xf32>
        %swap3A_333 = arith.constant 1 : i32
        %swap3A_334 = arith.index_cast %swap3A_333 : i32 to index
        %swap3A_335 = arith.index_cast %add3A_289 : i32 to index
        %swap3A_336 = arith.constant 48 : index
        %swap3A_337 = tpu.vector_load %arg10[%swap3A_334, %swap3A_335, %swap3A_336] {strides = array<i32>} : memref<2x96x128xf32, #tpu.memory_space<vmem>>, vector<1x1x16xf32>,
        %swap3A_338 = vector.shape_cast %swap3A_337 : vector<1x1x16xf32> to vector<16xf32>
        %swap3A_339 = vector.shape_cast %get3A_332 : vector<16xf32> to vector<1x1x16xf32>
        tpu.vector_store %arg10[%swap3A_334, %swap3A_335, %swap3A_336], %swap3A_339 {add = true, strides = array<i32>} : memref<2x96x128xf32, #tpu.memory_space<vmem>>, vector<1x1x16xf32>,
        %get3A_340 = arith.constant 1 : i32
        %get3A_341 = arith.index_cast %get3A_340 : i32 to index
        %get3A_342 = arith.index_cast %add3A_289 : i32 to index
        %get3A_343 = arith.constant 64 : index
        %get3A_344 = tpu.vector_load %arg9[%get3A_341, %get3A_342, %get3A_343] {strides = array<i32>} : memref<2x96x128xf32, #tpu.memory_space<vmem>>, vector<1x1x16xf32>,
        %get3A_345 = vector.shape_cast %get3A_344 : vector<1x1x16xf32> to vector<16xf32>
        %swap3A_346 = arith.constant 1 : i32
        %swap3A_347 = arith.index_cast %swap3A_346 : i32 to index
        %swap3A_348 = arith.index_cast %add3A_289 : i32 to index
        %swap3A_349 = arith.constant 64 : index
        %swap3A_350 = tpu.vector_load %arg10[%swap3A_347, %swap3A_348, %swap3A_349] {strides = array<i32>} : memref<2x96x128xf32, #tpu.memory_space<vmem>>, vector<1x1x16xf32>,
        %swap3A_351 = vector.shape_cast %swap3A_350 : vector<1x1x16xf32> to vector<16xf32>
        %swap3A_352 = vector.shape_cast %get3A_345 : vector<16xf32> to vector<1x1x16xf32>
        tpu.vector_store %arg10[%swap3A_347, %swap3A_348, %swap3A_349], %swap3A_352 {add = true, strides = array<i32>} : memref<2x96x128xf32, #tpu.memory_space<vmem>>, vector<1x1x16xf32>,
        %get3A_353 = arith.constant 1 : i32
        %get3A_354 = arith.index_cast %get3A_353 : i32 to index
        %get3A_355 = arith.index_cast %add3A_289 : i32 to index
        %get3A_356 = arith.constant 80 : index
        %get3A_357 = tpu.vector_load %arg9[%get3A_354, %get3A_355, %get3A_356] {strides = array<i32>} : memref<2x96x128xf32, #tpu.memory_space<vmem>>, vector<1x1x16xf32>,
        %get3A_358 = vector.shape_cast %get3A_357 : vector<1x1x16xf32> to vector<16xf32>
        %swap3A_359 = arith.constant 1 : i32
        %swap3A_360 = arith.index_cast %swap3A_359 : i32 to index
        %swap3A_361 = arith.index_cast %add3A_289 : i32 to index
        %swap3A_362 = arith.constant 80 : index
        %swap3A_363 = tpu.vector_load %arg10[%swap3A_360, %swap3A_361, %swap3A_362] {strides = array<i32>} : memref<2x96x128xf32, #tpu.memory_space<vmem>>, vector<1x1x16xf32>,
        %swap3A_364 = vector.shape_cast %swap3A_363 : vector<1x1x16xf32> to vector<16xf32>
        %swap3A_365 = vector.shape_cast %get3A_358 : vector<16xf32> to vector<1x1x16xf32>
        tpu.vector_store %arg10[%swap3A_360, %swap3A_361, %swap3A_362], %swap3A_365 {add = true, strides = array<i32>} : memref<2x96x128xf32, #tpu.memory_space<vmem>>, vector<1x1x16xf32>,
        %get3A_366 = arith.constant 1 : i32
        %get3A_367 = arith.index_cast %get3A_366 : i32 to index
        %get3A_368 = arith.index_cast %add3A_289 : i32 to index
        %get3A_369 = arith.constant 96 : index
        %get3A_370 = tpu.vector_load %arg9[%get3A_367, %get3A_368, %get3A_369] {strides = array<i32>} : memref<2x96x128xf32, #tpu.memory_space<vmem>>, vector<1x1x16xf32>,
        %get3A_371 = vector.shape_cast %get3A_370 : vector<1x1x16xf32> to vector<16xf32>
        %swap3A_372 = arith.constant 1 : i32
        %swap3A_373 = arith.index_cast %swap3A_372 : i32 to index
        %swap3A_374 = arith.index_cast %add3A_289 : i32 to index
        %swap3A_375 = arith.constant 96 : index
        %swap3A_376 = tpu.vector_load %arg10[%swap3A_373, %swap3A_374, %swap3A_375] {strides = array<i32>} : memref<2x96x128xf32, #tpu.memory_space<vmem>>, vector<1x1x16xf32>,
        %swap3A_377 = vector.shape_cast %swap3A_376 : vector<1x1x16xf32> to vector<16xf32>
        %swap3A_378 = vector.shape_cast %get3A_371 : vector<16xf32> to vector<1x1x16xf32>
        tpu.vector_store %arg10[%swap3A_373, %swap3A_374, %swap3A_375], %swap3A_378 {add = true, strides = array<i32>} : memref<2x96x128xf32, #tpu.memory_space<vmem>>, vector<1x1x16xf32>,
        %get3A_379 = arith.constant 1 : i32
        %get3A_380 = arith.index_cast %get3A_379 : i32 to index
        %get3A_381 = arith.index_cast %add3A_289 : i32 to index
        %get3A_382 = arith.constant 112 : index
        %get3A_383 = tpu.vector_load %arg9[%get3A_380, %get3A_381, %get3A_382] {strides = array<i32>} : memref<2x96x128xf32, #tpu.memory_space<vmem>>, vector<1x1x16xf32>,
        %get3A_384 = vector.shape_cast %get3A_383 : vector<1x1x16xf32> to vector<16xf32>
        %swap3A_385 = arith.constant 1 : i32
        %swap3A_386 = arith.index_cast %swap3A_385 : i32 to index
        %swap3A_387 = arith.index_cast %add3A_289 : i32 to index
        %swap3A_388 = arith.constant 112 : index
        %swap3A_389 = tpu.vector_load %arg10[%swap3A_386, %swap3A_387, %swap3A_388] {strides = array<i32>} : memref<2x96x128xf32, #tpu.memory_space<vmem>>, vector<1x1x16xf32>,
        %swap3A_390 = vector.shape_cast %swap3A_389 : vector<1x1x16xf32> to vector<16xf32>
        %swap3A_391 = vector.shape_cast %get3A_384 : vector<16xf32> to vector<1x1x16xf32>
        tpu.vector_store %arg10[%swap3A_386, %swap3A_387, %swap3A_388], %swap3A_391 {add = true, strides = array<i32>} : memref<2x96x128xf32, #tpu.memory_space<vmem>>, vector<1x1x16xf32>,
        %mul3A_392 = arith.constant 4 : i32
        %mul3A_393 = arith.muli %mul3A_392, %scan3A_285 : i32
        %add3A_394 = arith.constant 1 : i32
        %add3A_395 = arith.addi %mul3A_393, %add3A_394 : i32
        %get3A_396 = arith.constant 1 : i32
        %get3A_397 = arith.index_cast %get3A_396 : i32 to index
        %get3A_398 = arith.index_cast %add3A_395 : i32 to index
        %get3A_399 = arith.constant 0 : index
        %get3A_400 = tpu.vector_load %arg9[%get3A_397, %get3A_398, %get3A_399] {strides = array<i32>} : memref<2x96x128xf32, #tpu.memory_space<vmem>>, vector<1x1x16xf32>,
        %get3A_401 = vector.shape_cast %get3A_400 : vector<1x1x16xf32> to vector<16xf32>
        %swap3A_402 = arith.constant 1 : i32
        %swap3A_403 = arith.index_cast %swap3A_402 : i32 to index
        %swap3A_404 = arith.index_cast %add3A_395 : i32 to index
        %swap3A_405 = arith.constant 0 : index
        %swap3A_406 = tpu.vector_load %arg10[%swap3A_403, %swap3A_404, %swap3A_405] {strides = array<i32>} : memref<2x96x128xf32, #tpu.memory_space<vmem>>, vector<1x1x16xf32>,
        %swap3A_407 = vector.shape_cast %swap3A_406 : vector<1x1x16xf32> to vector<16xf32>
        %swap3A_408 = vector.shape_cast %get3A_401 : vector<16xf32> to vector<1x1x16xf32>
        tpu.vector_store %arg10[%swap3A_403, %swap3A_404, %swap3A_405], %swap3A_408 {add = true, strides = array<i32>} : memref<2x96x128xf32, #tpu.memory_space<vmem>>, vector<1x1x16xf32>,
        %get3A_409 = arith.constant 1 : i32
        %get3A_410 = arith.index_cast %get3A_409 : i32 to index
        %get3A_411 = arith.index_cast %add3A_395 : i32 to index
        %get3A_412 = arith.constant 16 : index
        %get3A_413 = tpu.vector_load %arg9[%get3A_410, %get3A_411, %get3A_412] {strides = array<i32>} : memref<2x96x128xf32, #tpu.memory_space<vmem>>, vector<1x1x16xf32>,
        %get3A_414 = vector.shape_cast %get3A_413 : vector<1x1x16xf32> to vector<16xf32>
        %swap3A_415 = arith.constant 1 : i32
        %swap3A_416 = arith.index_cast %swap3A_415 : i32 to index
        %swap3A_417 = arith.index_cast %add3A_395 : i32 to index
        %swap3A_418 = arith.constant 16 : index
        %swap3A_419 = tpu.vector_load %arg10[%swap3A_416, %swap3A_417, %swap3A_418] {strides = array<i32>} : memref<2x96x128xf32, #tpu.memory_space<vmem>>, vector<1x1x16xf32>,
        %swap3A_420 = vector.shape_cast %swap3A_419 : vector<1x1x16xf32> to vector<16xf32>
        %swap3A_421 = vector.shape_cast %get3A_414 : vector<16xf32> to vector<1x1x16xf32>
        tpu.vector_store %arg10[%swap3A_416, %swap3A_417, %swap3A_418], %swap3A_421 {add = true, strides = array<i32>} : memref<2x96x128xf32, #tpu.memory_space<vmem>>, vector<1x1x16xf32>,
        %get3A_422 = arith.constant 1 : i32
        %get3A_423 = arith.index_cast %get3A_422 : i32 to index
        %get3A_424 = arith.index_cast %add3A_395 : i32 to index
        %get3A_425 = arith.constant 32 : index
        %get3A_426 = tpu.vector_load %arg9[%get3A_423, %get3A_424, %get3A_425] {strides = array<i32>} : memref<2x96x128xf32, #tpu.memory_space<vmem>>, vector<1x1x16xf32>,
        %get3A_427 = vector.shape_cast %get3A_426 : vector<1x1x16xf32> to vector<16xf32>
        %swap3A_428 = arith.constant 1 : i32
        %swap3A_429 = arith.index_cast %swap3A_428 : i32 to index
        %swap3A_430 = arith.index_cast %add3A_395 : i32 to index
        %swap3A_431 = arith.constant 32 : index
        %swap3A_432 = tpu.vector_load %arg10[%swap3A_429, %swap3A_430, %swap3A_431] {strides = array<i32>} : memref<2x96x128xf32, #tpu.memory_space<vmem>>, vector<1x1x16xf32>,
        %swap3A_433 = vector.shape_cast %swap3A_432 : vector<1x1x16xf32> to vector<16xf32>
        %swap3A_434 = vector.shape_cast %get3A_427 : vector<16xf32> to vector<1x1x16xf32>
        tpu.vector_store %arg10[%swap3A_429, %swap3A_430, %swap3A_431], %swap3A_434 {add = true, strides = array<i32>} : memref<2x96x128xf32, #tpu.memory_space<vmem>>, vector<1x1x16xf32>,
        %get3A_435 = arith.constant 1 : i32
        %get3A_436 = arith.index_cast %get3A_435 : i32 to index
        %get3A_437 = arith.index_cast %add3A_395 : i32 to index
        %get3A_438 = arith.constant 48 : index
        %get3A_439 = tpu.vector_load %arg9[%get3A_436, %get3A_437, %get3A_438] {strides = array<i32>} : memref<2x96x128xf32, #tpu.memory_space<vmem>>, vector<1x1x16xf32>,
        %get3A_440 = vector.shape_cast %get3A_439 : vector<1x1x16xf32> to vector<16xf32>
        %swap3A_441 = arith.constant 1 : i32
        %swap3A_442 = arith.index_cast %swap3A_441 : i32 to index
        %swap3A_443 = arith.index_cast %add3A_395 : i32 to index
        %swap3A_444 = arith.constant 48 : index
        %swap3A_445 = tpu.vector_load %arg10[%swap3A_442, %swap3A_443, %swap3A_444] {strides = array<i32>} : memref<2x96x128xf32, #tpu.memory_space<vmem>>, vector<1x1x16xf32>,
        %swap3A_446 = vector.shape_cast %swap3A_445 : vector<1x1x16xf32> to vector<16xf32>
        %swap3A_447 = vector.shape_cast %get3A_440 : vector<16xf32> to vector<1x1x16xf32>
        tpu.vector_store %arg10[%swap3A_442, %swap3A_443, %swap3A_444], %swap3A_447 {add = true, strides = array<i32>} : memref<2x96x128xf32, #tpu.memory_space<vmem>>, vector<1x1x16xf32>,
        %get3A_448 = arith.constant 1 : i32
        %get3A_449 = arith.index_cast %get3A_448 : i32 to index
        %get3A_450 = arith.index_cast %add3A_395 : i32 to index
        %get3A_451 = arith.constant 64 : index
        %get3A_452 = tpu.vector_load %arg9[%get3A_449, %get3A_450, %get3A_451] {strides = array<i32>} : memref<2x96x128xf32, #tpu.memory_space<vmem>>, vector<1x1x16xf32>,
        %get3A_453 = vector.shape_cast %get3A_452 : vector<1x1x16xf32> to vector<16xf32>
        %swap3A_454 = arith.constant 1 : i32
        %swap3A_455 = arith.index_cast %swap3A_454 : i32 to index
        %swap3A_456 = arith.index_cast %add3A_395 : i32 to index
        %swap3A_457 = arith.constant 64 : index
        %swap3A_458 = tpu.vector_load %arg10[%swap3A_455, %swap3A_456, %swap3A_457] {strides = array<i32>} : memref<2x96x128xf32, #tpu.memory_space<vmem>>, vector<1x1x16xf32>,
        %swap3A_459 = vector.shape_cast %swap3A_458 : vector<1x1x16xf32> to vector<16xf32>
        %swap3A_460 = vector.shape_cast %get3A_453 : vector<16xf32> to vector<1x1x16xf32>
        tpu.vector_store %arg10[%swap3A_455, %swap3A_456, %swap3A_457], %swap3A_460 {add = true, strides = array<i32>} : memref<2x96x128xf32, #tpu.memory_space<vmem>>, vector<1x1x16xf32>,
        %get3A_461 = arith.constant 1 : i32
        %get3A_462 = arith.index_cast %get3A_461 : i32 to index
        %get3A_463 = arith.index_cast %add3A_395 : i32 to index
        %get3A_464 = arith.constant 80 : index
        %get3A_465 = tpu.vector_load %arg9[%get3A_462, %get3A_463, %get3A_464] {strides = array<i32>} : memref<2x96x128xf32, #tpu.memory_space<vmem>>, vector<1x1x16xf32>,
        %get3A_466 = vector.shape_cast %get3A_465 : vector<1x1x16xf32> to vector<16xf32>
        %swap3A_467 = arith.constant 1 : i32
        %swap3A_468 = arith.index_cast %swap3A_467 : i32 to index
        %swap3A_469 = arith.index_cast %add3A_395 : i32 to index
        %swap3A_470 = arith.constant 80 : index
        %swap3A_471 = tpu.vector_load %arg10[%swap3A_468, %swap3A_469, %swap3A_470] {strides = array<i32>} : memref<2x96x128xf32, #tpu.memory_space<vmem>>, vector<1x1x16xf32>,
        %swap3A_472 = vector.shape_cast %swap3A_471 : vector<1x1x16xf32> to vector<16xf32>
        %swap3A_473 = vector.shape_cast %get3A_466 : vector<16xf32> to vector<1x1x16xf32>
        tpu.vector_store %arg10[%swap3A_468, %swap3A_469, %swap3A_470], %swap3A_473 {add = true, strides = array<i32>} : memref<2x96x128xf32, #tpu.memory_space<vmem>>, vector<1x1x16xf32>,
        %get3A_474 = arith.constant 1 : i32
        %get3A_475 = arith.index_cast %get3A_474 : i32 to index
        %get3A_476 = arith.index_cast %add3A_395 : i32 to index
        %get3A_477 = arith.constant 96 : index
        %get3A_478 = tpu.vector_load %arg9[%get3A_475, %get3A_476, %get3A_477] {strides = array<i32>} : memref<2x96x128xf32, #tpu.memory_space<vmem>>, vector<1x1x16xf32>,
        %get3A_479 = vector.shape_cast %get3A_478 : vector<1x1x16xf32> to vector<16xf32>
        %swap3A_480 = arith.constant 1 : i32
        %swap3A_481 = arith.index_cast %swap3A_480 : i32 to index
        %swap3A_482 = arith.index_cast %add3A_395 : i32 to index
        %swap3A_483 = arith.constant 96 : index
        %swap3A_484 = tpu.vector_load %arg10[%swap3A_481, %swap3A_482, %swap3A_483] {strides = array<i32>} : memref<2x96x128xf32, #tpu.memory_space<vmem>>, vector<1x1x16xf32>,
        %swap3A_485 = vector.shape_cast %swap3A_484 : vector<1x1x16xf32> to vector<16xf32>
        %swap3A_486 = vector.shape_cast %get3A_479 : vector<16xf32> to vector<1x1x16xf32>
        tpu.vector_store %arg10[%swap3A_481, %swap3A_482, %swap3A_483], %swap3A_486 {add = true, strides = array<i32>} : memref<2x96x128xf32, #tpu.memory_space<vmem>>, vector<1x1x16xf32>,
        %get3A_487 = arith.constant 1 : i32
        %get3A_488 = arith.index_cast %get3A_487 : i32 to index
        %get3A_489 = arith.index_cast %add3A_395 : i32 to index
        %get3A_490 = arith.constant 112 : index
        %get3A_491 = tpu.vector_load %arg9[%get3A_488, %get3A_489, %get3A_490] {strides = array<i32>} : memref<2x96x128xf32, #tpu.memory_space<vmem>>, vector<1x1x16xf32>,
        %get3A_492 = vector.shape_cast %get3A_491 : vector<1x1x16xf32> to vector<16xf32>
        %swap3A_493 = arith.constant 1 : i32
        %swap3A_494 = arith.index_cast %swap3A_493 : i32 to index
        %swap3A_495 = arith.index_cast %add3A_395 : i32 to index
        %swap3A_496 = arith.constant 112 : index
        %swap3A_497 = tpu.vector_load %arg10[%swap3A_494, %swap3A_495, %swap3A_496] {strides = array<i32>} : memref<2x96x128xf32, #tpu.memory_space<vmem>>, vector<1x1x16xf32>,
        %swap3A_498 = vector.shape_cast %swap3A_497 : vector<1x1x16xf32> to vector<16xf32>
        %swap3A_499 = vector.shape_cast %get3A_492 : vector<16xf32> to vector<1x1x16xf32>
        tpu.vector_store %arg10[%swap3A_494, %swap3A_495, %swap3A_496], %swap3A_499 {add = true, strides = array<i32>} : memref<2x96x128xf32, #tpu.memory_space<vmem>>, vector<1x1x16xf32>,
        %mul3A_500 = arith.constant 4 : i32
        %mul3A_501 = arith.muli %mul3A_500, %scan3A_285 : i32
        %add3A_502 = arith.constant 2 : i32
        %add3A_503 = arith.addi %mul3A_501, %add3A_502 : i32
        %get3A_504 = arith.constant 1 : i32
        %get3A_505 = arith.index_cast %get3A_504 : i32 to index
        %get3A_506 = arith.index_cast %add3A_503 : i32 to index
        %get3A_507 = arith.constant 0 : index
        %get3A_508 = tpu.vector_load %arg9[%get3A_505, %get3A_506, %get3A_507] {strides = array<i32>} : memref<2x96x128xf32, #tpu.memory_space<vmem>>, vector<1x1x16xf32>,
        %get3A_509 = vector.shape_cast %get3A_508 : vector<1x1x16xf32> to vector<16xf32>
        %swap3A_510 = arith.constant 1 : i32
        %swap3A_511 = arith.index_cast %swap3A_510 : i32 to index
        %swap3A_512 = arith.index_cast %add3A_503 : i32 to index
        %swap3A_513 = arith.constant 0 : index
        %swap3A_514 = tpu.vector_load %arg10[%swap3A_511, %swap3A_512, %swap3A_513] {strides = array<i32>} : memref<2x96x128xf32, #tpu.memory_space<vmem>>, vector<1x1x16xf32>,
        %swap3A_515 = vector.shape_cast %swap3A_514 : vector<1x1x16xf32> to vector<16xf32>
        %swap3A_516 = vector.shape_cast %get3A_509 : vector<16xf32> to vector<1x1x16xf32>
        tpu.vector_store %arg10[%swap3A_511, %swap3A_512, %swap3A_513], %swap3A_516 {add = true, strides = array<i32>} : memref<2x96x128xf32, #tpu.memory_space<vmem>>, vector<1x1x16xf32>,
        %get3A_517 = arith.constant 1 : i32
        %get3A_518 = arith.index_cast %get3A_517 : i32 to index
        %get3A_519 = arith.index_cast %add3A_503 : i32 to index
        %get3A_520 = arith.constant 16 : index
        %get3A_521 = tpu.vector_load %arg9[%get3A_518, %get3A_519, %get3A_520] {strides = array<i32>} : memref<2x96x128xf32, #tpu.memory_space<vmem>>, vector<1x1x16xf32>,
        %get3A_522 = vector.shape_cast %get3A_521 : vector<1x1x16xf32> to vector<16xf32>
        %swap3A_523 = arith.constant 1 : i32
        %swap3A_524 = arith.index_cast %swap3A_523 : i32 to index
        %swap3A_525 = arith.index_cast %add3A_503 : i32 to index
        %swap3A_526 = arith.constant 16 : index
        %swap3A_527 = tpu.vector_load %arg10[%swap3A_524, %swap3A_525, %swap3A_526] {strides = array<i32>} : memref<2x96x128xf32, #tpu.memory_space<vmem>>, vector<1x1x16xf32>,
        %swap3A_528 = vector.shape_cast %swap3A_527 : vector<1x1x16xf32> to vector<16xf32>
        %swap3A_529 = vector.shape_cast %get3A_522 : vector<16xf32> to vector<1x1x16xf32>
        tpu.vector_store %arg10[%swap3A_524, %swap3A_525, %swap3A_526], %swap3A_529 {add = true, strides = array<i32>} : memref<2x96x128xf32, #tpu.memory_space<vmem>>, vector<1x1x16xf32>,
        %get3A_530 = arith.constant 1 : i32
        %get3A_531 = arith.index_cast %get3A_530 : i32 to index
        %get3A_532 = arith.index_cast %add3A_503 : i32 to index
        %get3A_533 = arith.constant 32 : index
        %get3A_534 = tpu.vector_load %arg9[%get3A_531, %get3A_532, %get3A_533] {strides = array<i32>} : memref<2x96x128xf32, #tpu.memory_space<vmem>>, vector<1x1x16xf32>,
        %get3A_535 = vector.shape_cast %get3A_534 : vector<1x1x16xf32> to vector<16xf32>
        %swap3A_536 = arith.constant 1 : i32
        %swap3A_537 = arith.index_cast %swap3A_536 : i32 to index
        %swap3A_538 = arith.index_cast %add3A_503 : i32 to index
        %swap3A_539 = arith.constant 32 : index
        %swap3A_540 = tpu.vector_load %arg10[%swap3A_537, %swap3A_538, %swap3A_539] {strides = array<i32>} : memref<2x96x128xf32, #tpu.memory_space<vmem>>, vector<1x1x16xf32>,
        %swap3A_541 = vector.shape_cast %swap3A_540 : vector<1x1x16xf32> to vector<16xf32>
        %swap3A_542 = vector.shape_cast %get3A_535 : vector<16xf32> to vector<1x1x16xf32>
        tpu.vector_store %arg10[%swap3A_537, %swap3A_538, %swap3A_539], %swap3A_542 {add = true, strides = array<i32>} : memref<2x96x128xf32, #tpu.memory_space<vmem>>, vector<1x1x16xf32>,
        %get3A_543 = arith.constant 1 : i32
        %get3A_544 = arith.index_cast %get3A_543 : i32 to index
        %get3A_545 = arith.index_cast %add3A_503 : i32 to index
        %get3A_546 = arith.constant 48 : index
        %get3A_547 = tpu.vector_load %arg9[%get3A_544, %get3A_545, %get3A_546] {strides = array<i32>} : memref<2x96x128xf32, #tpu.memory_space<vmem>>, vector<1x1x16xf32>,
        %get3A_548 = vector.shape_cast %get3A_547 : vector<1x1x16xf32> to vector<16xf32>
        %swap3A_549 = arith.constant 1 : i32
        %swap3A_550 = arith.index_cast %swap3A_549 : i32 to index
        %swap3A_551 = arith.index_cast %add3A_503 : i32 to index
        %swap3A_552 = arith.constant 48 : index
        %swap3A_553 = tpu.vector_load %arg10[%swap3A_550, %swap3A_551, %swap3A_552] {strides = array<i32>} : memref<2x96x128xf32, #tpu.memory_space<vmem>>, vector<1x1x16xf32>,
        %swap3A_554 = vector.shape_cast %swap3A_553 : vector<1x1x16xf32> to vector<16xf32>
        %swap3A_555 = vector.shape_cast %get3A_548 : vector<16xf32> to vector<1x1x16xf32>
        tpu.vector_store %arg10[%swap3A_550, %swap3A_551, %swap3A_552], %swap3A_555 {add = true, strides = array<i32>} : memref<2x96x128xf32, #tpu.memory_space<vmem>>, vector<1x1x16xf32>,
        %get3A_556 = arith.constant 1 : i32
        %get3A_557 = arith.index_cast %get3A_556 : i32 to index
        %get3A_558 = arith.index_cast %add3A_503 : i32 to index
        %get3A_559 = arith.constant 64 : index
        %get3A_560 = tpu.vector_load %arg9[%get3A_557, %get3A_558, %get3A_559] {strides = array<i32>} : memref<2x96x128xf32, #tpu.memory_space<vmem>>, vector<1x1x16xf32>,
        %get3A_561 = vector.shape_cast %get3A_560 : vector<1x1x16xf32> to vector<16xf32>
        %swap3A_562 = arith.constant 1 : i32
        %swap3A_563 = arith.index_cast %swap3A_562 : i32 to index
        %swap3A_564 = arith.index_cast %add3A_503 : i32 to index
        %swap3A_565 = arith.constant 64 : index
        %swap3A_566 = tpu.vector_load %arg10[%swap3A_563, %swap3A_564, %swap3A_565] {strides = array<i32>} : memref<2x96x128xf32, #tpu.memory_space<vmem>>, vector<1x1x16xf32>,
        %swap3A_567 = vector.shape_cast %swap3A_566 : vector<1x1x16xf32> to vector<16xf32>
        %swap3A_568 = vector.shape_cast %get3A_561 : vector<16xf32> to vector<1x1x16xf32>
        tpu.vector_store %arg10[%swap3A_563, %swap3A_564, %swap3A_565], %swap3A_568 {add = true, strides = array<i32>} : memref<2x96x128xf32, #tpu.memory_space<vmem>>, vector<1x1x16xf32>,
        %get3A_569 = arith.constant 1 : i32
        %get3A_570 = arith.index_cast %get3A_569 : i32 to index
        %get3A_571 = arith.index_cast %add3A_503 : i32 to index
        %get3A_572 = arith.constant 80 : index
        %get3A_573 = tpu.vector_load %arg9[%get3A_570, %get3A_571, %get3A_572] {strides = array<i32>} : memref<2x96x128xf32, #tpu.memory_space<vmem>>, vector<1x1x16xf32>,
        %get3A_574 = vector.shape_cast %get3A_573 : vector<1x1x16xf32> to vector<16xf32>
        %swap3A_575 = arith.constant 1 : i32
        %swap3A_576 = arith.index_cast %swap3A_575 : i32 to index
        %swap3A_577 = arith.index_cast %add3A_503 : i32 to index
        %swap3A_578 = arith.constant 80 : index
        %swap3A_579 = tpu.vector_load %arg10[%swap3A_576, %swap3A_577, %swap3A_578] {strides = array<i32>} : memref<2x96x128xf32, #tpu.memory_space<vmem>>, vector<1x1x16xf32>,
        %swap3A_580 = vector.shape_cast %swap3A_579 : vector<1x1x16xf32> to vector<16xf32>
        %swap3A_581 = vector.shape_cast %get3A_574 : vector<16xf32> to vector<1x1x16xf32>
        tpu.vector_store %arg10[%swap3A_576, %swap3A_577, %swap3A_578], %swap3A_581 {add = true, strides = array<i32>} : memref<2x96x128xf32, #tpu.memory_space<vmem>>, vector<1x1x16xf32>,
        %get3A_582 = arith.constant 1 : i32
        %get3A_583 = arith.index_cast %get3A_582 : i32 to index
        %get3A_584 = arith.index_cast %add3A_503 : i32 to index
        %get3A_585 = arith.constant 96 : index
        %get3A_586 = tpu.vector_load %arg9[%get3A_583, %get3A_584, %get3A_585] {strides = array<i32>} : memref<2x96x128xf32, #tpu.memory_space<vmem>>, vector<1x1x16xf32>,
        %get3A_587 = vector.shape_cast %get3A_586 : vector<1x1x16xf32> to vector<16xf32>
        %swap3A_588 = arith.constant 1 : i32
        %swap3A_589 = arith.index_cast %swap3A_588 : i32 to index
        %swap3A_590 = arith.index_cast %add3A_503 : i32 to index
        %swap3A_591 = arith.constant 96 : index
        %swap3A_592 = tpu.vector_load %arg10[%swap3A_589, %swap3A_590, %swap3A_591] {strides = array<i32>} : memref<2x96x128xf32, #tpu.memory_space<vmem>>, vector<1x1x16xf32>,
        %swap3A_593 = vector.shape_cast %swap3A_592 : vector<1x1x16xf32> to vector<16xf32>
        %swap3A_594 = vector.shape_cast %get3A_587 : vector<16xf32> to vector<1x1x16xf32>
        tpu.vector_store %arg10[%swap3A_589, %swap3A_590, %swap3A_591], %swap3A_594 {add = true, strides = array<i32>} : memref<2x96x128xf32, #tpu.memory_space<vmem>>, vector<1x1x16xf32>,
        %get3A_595 = arith.constant 1 : i32
        %get3A_596 = arith.index_cast %get3A_595 : i32 to index
        %get3A_597 = arith.index_cast %add3A_503 : i32 to index
        %get3A_598 = arith.constant 112 : index
        %get3A_599 = tpu.vector_load %arg9[%get3A_596, %get3A_597, %get3A_598] {strides = array<i32>} : memref<2x96x128xf32, #tpu.memory_space<vmem>>, vector<1x1x16xf32>,
        %get3A_600 = vector.shape_cast %get3A_599 : vector<1x1x16xf32> to vector<16xf32>
        %swap3A_601 = arith.constant 1 : i32
        %swap3A_602 = arith.index_cast %swap3A_601 : i32 to index
        %swap3A_603 = arith.index_cast %add3A_503 : i32 to index
        %swap3A_604 = arith.constant 112 : index
        %swap3A_605 = tpu.vector_load %arg10[%swap3A_602, %swap3A_603, %swap3A_604] {strides = array<i32>} : memref<2x96x128xf32, #tpu.memory_space<vmem>>, vector<1x1x16xf32>,
        %swap3A_606 = vector.shape_cast %swap3A_605 : vector<1x1x16xf32> to vector<16xf32>
        %swap3A_607 = vector.shape_cast %get3A_600 : vector<16xf32> to vector<1x1x16xf32>
        tpu.vector_store %arg10[%swap3A_602, %swap3A_603, %swap3A_604], %swap3A_607 {add = true, strides = array<i32>} : memref<2x96x128xf32, #tpu.memory_space<vmem>>, vector<1x1x16xf32>,
        %mul3A_608 = arith.constant 4 : i32
        %mul3A_609 = arith.muli %mul3A_608, %scan3A_285 : i32
        %add3A_610 = arith.constant 3 : i32
        %add3A_611 = arith.addi %mul3A_609, %add3A_610 : i32
        %get3A_612 = arith.constant 1 : i32
        %get3A_613 = arith.index_cast %get3A_612 : i32 to index
        %get3A_614 = arith.index_cast %add3A_611 : i32 to index
        %get3A_615 = arith.constant 0 : index
        %get3A_616 = tpu.vector_load %arg9[%get3A_613, %get3A_614, %get3A_615] {strides = array<i32>} : memref<2x96x128xf32, #tpu.memory_space<vmem>>, vector<1x1x16xf32>,
        %get3A_617 = vector.shape_cast %get3A_616 : vector<1x1x16xf32> to vector<16xf32>
        %swap3A_618 = arith.constant 1 : i32
        %swap3A_619 = arith.index_cast %swap3A_618 : i32 to index
        %swap3A_620 = arith.index_cast %add3A_611 : i32 to index
        %swap3A_621 = arith.constant 0 : index
        %swap3A_622 = tpu.vector_load %arg10[%swap3A_619, %swap3A_620, %swap3A_621] {strides = array<i32>} : memref<2x96x128xf32, #tpu.memory_space<vmem>>, vector<1x1x16xf32>,
        %swap3A_623 = vector.shape_cast %swap3A_622 : vector<1x1x16xf32> to vector<16xf32>
        %swap3A_624 = vector.shape_cast %get3A_617 : vector<16xf32> to vector<1x1x16xf32>
        tpu.vector_store %arg10[%swap3A_619, %swap3A_620, %swap3A_621], %swap3A_624 {add = true, strides = array<i32>} : memref<2x96x128xf32, #tpu.memory_space<vmem>>, vector<1x1x16xf32>,
        %get3A_625 = arith.constant 1 : i32
        %get3A_626 = arith.index_cast %get3A_625 : i32 to index
        %get3A_627 = arith.index_cast %add3A_611 : i32 to index
        %get3A_628 = arith.constant 16 : index
        %get3A_629 = tpu.vector_load %arg9[%get3A_626, %get3A_627, %get3A_628] {strides = array<i32>} : memref<2x96x128xf32, #tpu.memory_space<vmem>>, vector<1x1x16xf32>,
        %get3A_630 = vector.shape_cast %get3A_629 : vector<1x1x16xf32> to vector<16xf32>
        %swap3A_631 = arith.constant 1 : i32
        %swap3A_632 = arith.index_cast %swap3A_631 : i32 to index
        %swap3A_633 = arith.index_cast %add3A_611 : i32 to index
        %swap3A_634 = arith.constant 16 : index
        %swap3A_635 = tpu.vector_load %arg10[%swap3A_632, %swap3A_633, %swap3A_634] {strides = array<i32>} : memref<2x96x128xf32, #tpu.memory_space<vmem>>, vector<1x1x16xf32>,
        %swap3A_636 = vector.shape_cast %swap3A_635 : vector<1x1x16xf32> to vector<16xf32>
        %swap3A_637 = vector.shape_cast %get3A_630 : vector<16xf32> to vector<1x1x16xf32>
        tpu.vector_store %arg10[%swap3A_632, %swap3A_633, %swap3A_634], %swap3A_637 {add = true, strides = array<i32>} : memref<2x96x128xf32, #tpu.memory_space<vmem>>, vector<1x1x16xf32>,
        %get3A_638 = arith.constant 1 : i32
        %get3A_639 = arith.index_cast %get3A_638 : i32 to index
        %get3A_640 = arith.index_cast %add3A_611 : i32 to index
        %get3A_641 = arith.constant 32 : index
        %get3A_642 = tpu.vector_load %arg9[%get3A_639, %get3A_640, %get3A_641] {strides = array<i32>} : memref<2x96x128xf32, #tpu.memory_space<vmem>>, vector<1x1x16xf32>,
        %get3A_643 = vector.shape_cast %get3A_642 : vector<1x1x16xf32> to vector<16xf32>
        %swap3A_644 = arith.constant 1 : i32
        %swap3A_645 = arith.index_cast %swap3A_644 : i32 to index
        %swap3A_646 = arith.index_cast %add3A_611 : i32 to index
        %swap3A_647 = arith.constant 32 : index
        %swap3A_648 = tpu.vector_load %arg10[%swap3A_645, %swap3A_646, %swap3A_647] {strides = array<i32>} : memref<2x96x128xf32, #tpu.memory_space<vmem>>, vector<1x1x16xf32>,
        %swap3A_649 = vector.shape_cast %swap3A_648 : vector<1x1x16xf32> to vector<16xf32>
        %swap3A_650 = vector.shape_cast %get3A_643 : vector<16xf32> to vector<1x1x16xf32>
        tpu.vector_store %arg10[%swap3A_645, %swap3A_646, %swap3A_647], %swap3A_650 {add = true, strides = array<i32>} : memref<2x96x128xf32, #tpu.memory_space<vmem>>, vector<1x1x16xf32>,
        %get3A_651 = arith.constant 1 : i32
        %get3A_652 = arith.index_cast %get3A_651 : i32 to index
        %get3A_653 = arith.index_cast %add3A_611 : i32 to index
        %get3A_654 = arith.constant 48 : index
        %get3A_655 = tpu.vector_load %arg9[%get3A_652, %get3A_653, %get3A_654] {strides = array<i32>} : memref<2x96x128xf32, #tpu.memory_space<vmem>>, vector<1x1x16xf32>,
        %get3A_656 = vector.shape_cast %get3A_655 : vector<1x1x16xf32> to vector<16xf32>
        %swap3A_657 = arith.constant 1 : i32
        %swap3A_658 = arith.index_cast %swap3A_657 : i32 to index
        %swap3A_659 = arith.index_cast %add3A_611 : i32 to index
        %swap3A_660 = arith.constant 48 : index
        %swap3A_661 = tpu.vector_load %arg10[%swap3A_658, %swap3A_659, %swap3A_660] {strides = array<i32>} : memref<2x96x128xf32, #tpu.memory_space<vmem>>, vector<1x1x16xf32>,
        %swap3A_662 = vector.shape_cast %swap3A_661 : vector<1x1x16xf32> to vector<16xf32>
        %swap3A_663 = vector.shape_cast %get3A_656 : vector<16xf32> to vector<1x1x16xf32>
        tpu.vector_store %arg10[%swap3A_658, %swap3A_659, %swap3A_660], %swap3A_663 {add = true, strides = array<i32>} : memref<2x96x128xf32, #tpu.memory_space<vmem>>, vector<1x1x16xf32>,
        %get3A_664 = arith.constant 1 : i32
        %get3A_665 = arith.index_cast %get3A_664 : i32 to index
        %get3A_666 = arith.index_cast %add3A_611 : i32 to index
        %get3A_667 = arith.constant 64 : index
        %get3A_668 = tpu.vector_load %arg9[%get3A_665, %get3A_666, %get3A_667] {strides = array<i32>} : memref<2x96x128xf32, #tpu.memory_space<vmem>>, vector<1x1x16xf32>,
        %get3A_669 = vector.shape_cast %get3A_668 : vector<1x1x16xf32> to vector<16xf32>
        %swap3A_670 = arith.constant 1 : i32
        %swap3A_671 = arith.index_cast %swap3A_670 : i32 to index
        %swap3A_672 = arith.index_cast %add3A_611 : i32 to index
        %swap3A_673 = arith.constant 64 : index
        %swap3A_674 = tpu.vector_load %arg10[%swap3A_671, %swap3A_672, %swap3A_673] {strides = array<i32>} : memref<2x96x128xf32, #tpu.memory_space<vmem>>, vector<1x1x16xf32>,
        %swap3A_675 = vector.shape_cast %swap3A_674 : vector<1x1x16xf32> to vector<16xf32>
        %swap3A_676 = vector.shape_cast %get3A_669 : vector<16xf32> to vector<1x1x16xf32>
        tpu.vector_store %arg10[%swap3A_671, %swap3A_672, %swap3A_673], %swap3A_676 {add = true, strides = array<i32>} : memref<2x96x128xf32, #tpu.memory_space<vmem>>, vector<1x1x16xf32>,
        %get3A_677 = arith.constant 1 : i32
        %get3A_678 = arith.index_cast %get3A_677 : i32 to index
        %get3A_679 = arith.index_cast %add3A_611 : i32 to index
        %get3A_680 = arith.constant 80 : index
        %get3A_681 = tpu.vector_load %arg9[%get3A_678, %get3A_679, %get3A_680] {strides = array<i32>} : memref<2x96x128xf32, #tpu.memory_space<vmem>>, vector<1x1x16xf32>,
        %get3A_682 = vector.shape_cast %get3A_681 : vector<1x1x16xf32> to vector<16xf32>
        %swap3A_683 = arith.constant 1 : i32
        %swap3A_684 = arith.index_cast %swap3A_683 : i32 to index
        %swap3A_685 = arith.index_cast %add3A_611 : i32 to index
        %swap3A_686 = arith.constant 80 : index
        %swap3A_687 = tpu.vector_load %arg10[%swap3A_684, %swap3A_685, %swap3A_686] {strides = array<i32>} : memref<2x96x128xf32, #tpu.memory_space<vmem>>, vector<1x1x16xf32>,
        %swap3A_688 = vector.shape_cast %swap3A_687 : vector<1x1x16xf32> to vector<16xf32>
        %swap3A_689 = vector.shape_cast %get3A_682 : vector<16xf32> to vector<1x1x16xf32>
        tpu.vector_store %arg10[%swap3A_684, %swap3A_685, %swap3A_686], %swap3A_689 {add = true, strides = array<i32>} : memref<2x96x128xf32, #tpu.memory_space<vmem>>, vector<1x1x16xf32>,
        %get3A_690 = arith.constant 1 : i32
        %get3A_691 = arith.index_cast %get3A_690 : i32 to index
        %get3A_692 = arith.index_cast %add3A_611 : i32 to index
        %get3A_693 = arith.constant 96 : index
        %get3A_694 = tpu.vector_load %arg9[%get3A_691, %get3A_692, %get3A_693] {strides = array<i32>} : memref<2x96x128xf32, #tpu.memory_space<vmem>>, vector<1x1x16xf32>,
        %get3A_695 = vector.shape_cast %get3A_694 : vector<1x1x16xf32> to vector<16xf32>
        %swap3A_696 = arith.constant 1 : i32
        %swap3A_697 = arith.index_cast %swap3A_696 : i32 to index
        %swap3A_698 = arith.index_cast %add3A_611 : i32 to index
        %swap3A_699 = arith.constant 96 : index
        %swap3A_700 = tpu.vector_load %arg10[%swap3A_697, %swap3A_698, %swap3A_699] {strides = array<i32>} : memref<2x96x128xf32, #tpu.memory_space<vmem>>, vector<1x1x16xf32>,
        %swap3A_701 = vector.shape_cast %swap3A_700 : vector<1x1x16xf32> to vector<16xf32>
        %swap3A_702 = vector.shape_cast %get3A_695 : vector<16xf32> to vector<1x1x16xf32>
        tpu.vector_store %arg10[%swap3A_697, %swap3A_698, %swap3A_699], %swap3A_702 {add = true, strides = array<i32>} : memref<2x96x128xf32, #tpu.memory_space<vmem>>, vector<1x1x16xf32>,
        %get3A_703 = arith.constant 1 : i32
        %get3A_704 = arith.index_cast %get3A_703 : i32 to index
        %get3A_705 = arith.index_cast %add3A_611 : i32 to index
        %get3A_706 = arith.constant 112 : index
        %get3A_707 = tpu.vector_load %arg9[%get3A_704, %get3A_705, %get3A_706] {strides = array<i32>} : memref<2x96x128xf32, #tpu.memory_space<vmem>>, vector<1x1x16xf32>,
        %get3A_708 = vector.shape_cast %get3A_707 : vector<1x1x16xf32> to vector<16xf32>
        %swap3A_709 = arith.constant 1 : i32
        %swap3A_710 = arith.index_cast %swap3A_709 : i32 to index
        %swap3A_711 = arith.index_cast %add3A_611 : i32 to index
        %swap3A_712 = arith.constant 112 : index
        %swap3A_713 = tpu.vector_load %arg10[%swap3A_710, %swap3A_711, %swap3A_712] {strides = array<i32>} : memref<2x96x128xf32, #tpu.memory_space<vmem>>, vector<1x1x16xf32>,
        %swap3A_714 = vector.shape_cast %swap3A_713 : vector<1x1x16xf32> to vector<16xf32>
        %swap3A_715 = vector.shape_cast %get3A_708 : vector<16xf32> to vector<1x1x16xf32>
        tpu.vector_store %arg10[%swap3A_710, %swap3A_711, %swap3A_712], %swap3A_715 {add = true, strides = array<i32>} : memref<2x96x128xf32, #tpu.memory_space<vmem>>, vector<1x1x16xf32>,
      }
      %scan3A_266 = arith.constant 24 : i32
      %add3A_267 = arith.constant 1 : i32
      %add3A_268 = arith.addi %mul3A_76, %add3A_267 : i32
      %mul3A_269 = arith.constant 96 : i32
      %mul3A_270 = arith.muli %add3A_268, %mul3A_269 : i32
      %add3A_271 = arith.addi %multiple_of3A, %mul3A_270 : i32
      %dma_start3A_272 = arith.constant 1 : i32
      %dma_start3A_273 = arith.constant 0 : i32
      %dma_start3A_274 = arith.constant 0 : i32
      %dma_start3A_275 = tpu.memref_slice %arg10[%dma_start3A_272, %dma_start3A_273, %dma_start3A_274] : memref<2x96x128xf32, #tpu.memory_space<vmem>> -> memref<1x96x128xf32, #tpu.memory_space<vmem>>
      %dma_start3A_276 = tpu.memref_squeeze %dma_start3A_275 : memref<1x96x128xf32, #tpu.memory_space<vmem>> -> memref<96x128xf32, #tpu.memory_space<vmem>>
      %dma_start3A_277 = arith.constant 0 : i32
      %dma_start3A_278 = tpu.memref_slice %arg5[%add3A_271, %dma_start3A_277] : memref<262176x128xf32, #tpu.memory_space<hbm>> -> memref<96x128xf32, #tpu.memory_space<hbm>>
      %dma_start3A_279 = arith.constant 0 : i32
      %dma_start3A_280 = tpu.memref_slice %arg5[%add3A_271, %dma_start3A_279] : memref<262176x128xf32, #tpu.memory_space<hbm>> -> memref<96x128xf32, #tpu.memory_space<hbm>>
      %dma_start3A_281 = arith.constant 0 : i32
      %dma_start3A_282 = arith.constant 0 : i32
      %dma_start3A_283 = tpu.memref_slice %arg10[%dma_start3A_272, %dma_start3A_281, %dma_start3A_282] : memref<2x96x128xf32, #tpu.memory_space<vmem>> -> memref<1x96x128xf32, #tpu.memory_space<vmem>>
      %dma_start3A_284 = tpu.memref_squeeze %dma_start3A_283 : memref<1x96x128xf32, #tpu.memory_space<vmem>> -> memref<96x128xf32, #tpu.memory_space<vmem>>
      tpu.enqueue_dma source(%dma_start3A_284 : memref<96x128xf32, #tpu.memory_space<vmem>>) target(%dma_start3A_280 : memref<96x128xf32, #tpu.memory_space<hbm>>) target_semaphore(%arg17 : memref<!tpu.dma_semaphore, #tpu.memory_space<semaphore_mem>>)
    }
    %scan3A_14 = arith.constant 43 : i32
    %dma_wait3A = arith.constant 0 : i32
    %dma_wait3A_15 = arith.constant 0 : i32
    %dma_wait3A_16 = arith.constant 0 : i32
    %dma_wait3A_17 = tpu.memref_slice %arg10[%dma_wait3A, %dma_wait3A_15, %dma_wait3A_16] : memref<2x96x128xf32, #tpu.memory_space<vmem>> -> memref<1x96x128xf32, #tpu.memory_space<vmem>>
    %dma_wait3A_18 = tpu.memref_squeeze %dma_wait3A_17 : memref<1x96x128xf32, #tpu.memory_space<vmem>> -> memref<96x128xf32, #tpu.memory_space<vmem>>
    %dma_wait3A_19 = arith.constant 0 : i32
    %dma_wait3A_20 = arith.constant 0 : i32
    %dma_wait3A_21 = tpu.memref_slice %arg5[%dma_wait3A_19, %dma_wait3A_20] : memref<262176x128xf32, #tpu.memory_space<hbm>> -> memref<96x128xf32, #tpu.memory_space<hbm>>
    %dma_wait3A_22 = arith.constant 0 : i32
    %dma_wait3A_23 = arith.constant 0 : i32
    %dma_wait3A_24 = tpu.memref_slice %arg10[%dma_wait3A, %dma_wait3A_22, %dma_wait3A_23] : memref<2x96x128xf32, #tpu.memory_space<vmem>> -> memref<1x96x128xf32, #tpu.memory_space<vmem>>
    %dma_wait3A_25 = tpu.memref_squeeze %dma_wait3A_24 : memref<1x96x128xf32, #tpu.memory_space<vmem>> -> memref<96x128xf32, #tpu.memory_space<vmem>>
    %dma_wait3A_26 = arith.constant 0 : i32
    %dma_wait3A_27 = arith.constant 0 : i32
    %dma_wait3A_28 = tpu.memref_slice %arg5[%dma_wait3A_26, %dma_wait3A_27] : memref<262176x128xf32, #tpu.memory_space<hbm>> -> memref<96x128xf32, #tpu.memory_space<hbm>>
    tpu.wait_dma2 semaphore(%arg16 : memref<!tpu.dma_semaphore, #tpu.memory_space<semaphore_mem>>) src(%dma_wait3A_28 : memref<96x128xf32, #tpu.memory_space<hbm>>) dst(%dma_wait3A_25 : memref<96x128xf32, #tpu.memory_space<vmem>>)
    %dma_wait3A_29 = arith.constant 0 : i32
    %dma_wait3A_30 = arith.constant 0 : i32
    %dma_wait3A_31 = arith.constant 0 : i32
    %dma_wait3A_32 = tpu.memref_slice %arg9[%dma_wait3A_29, %dma_wait3A_30, %dma_wait3A_31] : memref<2x96x128xf32, #tpu.memory_space<vmem>> -> memref<1x96x128xf32, #tpu.memory_space<vmem>>
    %dma_wait3A_33 = tpu.memref_squeeze %dma_wait3A_32 : memref<1x96x128xf32, #tpu.memory_space<vmem>> -> memref<96x128xf32, #tpu.memory_space<vmem>>
    %dma_wait3A_34 = arith.constant 0 : i32
    %dma_wait3A_35 = arith.constant 0 : i32
    %dma_wait3A_36 = tpu.memref_slice %arg6[%dma_wait3A_34, %dma_wait3A_35] : memref<262176x128xf32, #tpu.memory_space<hbm>> -> memref<96x128xf32, #tpu.memory_space<hbm>>
    %dma_wait3A_37 = arith.constant 0 : i32
    %dma_wait3A_38 = arith.constant 0 : i32
    %dma_wait3A_39 = tpu.memref_slice %arg9[%dma_wait3A_29, %dma_wait3A_37, %dma_wait3A_38] : memref<2x96x128xf32, #tpu.memory_space<vmem>> -> memref<1x96x128xf32, #tpu.memory_space<vmem>>
    %dma_wait3A_40 = tpu.memref_squeeze %dma_wait3A_39 : memref<1x96x128xf32, #tpu.memory_space<vmem>> -> memref<96x128xf32, #tpu.memory_space<vmem>>
    %dma_wait3A_41 = arith.constant 0 : i32
    %dma_wait3A_42 = arith.constant 0 : i32
    %dma_wait3A_43 = tpu.memref_slice %arg6[%dma_wait3A_41, %dma_wait3A_42] : memref<262176x128xf32, #tpu.memory_space<hbm>> -> memref<96x128xf32, #tpu.memory_space<hbm>>
    tpu.wait_dma2 semaphore(%arg18 : memref<!tpu.dma_semaphore, #tpu.memory_space<semaphore_mem>>) src(%dma_wait3A_43 : memref<96x128xf32, #tpu.memory_space<hbm>>) dst(%dma_wait3A_40 : memref<96x128xf32, #tpu.memory_space<vmem>>)
    %dma_wait3A_44 = arith.constant 1 : i32
    %dma_wait3A_45 = arith.constant 0 : i32
    %dma_wait3A_46 = arith.constant 0 : i32
    %dma_wait3A_47 = tpu.memref_slice %arg10[%dma_wait3A_44, %dma_wait3A_45, %dma_wait3A_46] : memref<2x96x128xf32, #tpu.memory_space<vmem>> -> memref<1x96x128xf32, #tpu.memory_space<vmem>>
    %dma_wait3A_48 = tpu.memref_squeeze %dma_wait3A_47 : memref<1x96x128xf32, #tpu.memory_space<vmem>> -> memref<96x128xf32, #tpu.memory_space<vmem>>
    %dma_wait3A_49 = arith.constant 0 : i32
    %dma_wait3A_50 = arith.constant 0 : i32
    %dma_wait3A_51 = tpu.memref_slice %arg5[%dma_wait3A_49, %dma_wait3A_50] : memref<262176x128xf32, #tpu.memory_space<hbm>> -> memref<96x128xf32, #tpu.memory_space<hbm>>
    %dma_wait3A_52 = arith.constant 0 : i32
    %dma_wait3A_53 = arith.constant 0 : i32
    %dma_wait3A_54 = tpu.memref_slice %arg10[%dma_wait3A_44, %dma_wait3A_52, %dma_wait3A_53] : memref<2x96x128xf32, #tpu.memory_space<vmem>> -> memref<1x96x128xf32, #tpu.memory_space<vmem>>
    %dma_wait3A_55 = tpu.memref_squeeze %dma_wait3A_54 : memref<1x96x128xf32, #tpu.memory_space<vmem>> -> memref<96x128xf32, #tpu.memory_space<vmem>>
    %dma_wait3A_56 = arith.constant 0 : i32
    %dma_wait3A_57 = arith.constant 0 : i32
    %dma_wait3A_58 = tpu.memref_slice %arg5[%dma_wait3A_56, %dma_wait3A_57] : memref<262176x128xf32, #tpu.memory_space<hbm>> -> memref<96x128xf32, #tpu.memory_space<hbm>>
    tpu.wait_dma2 semaphore(%arg17 : memref<!tpu.dma_semaphore, #tpu.memory_space<semaphore_mem>>) src(%dma_wait3A_58 : memref<96x128xf32, #tpu.memory_space<hbm>>) dst(%dma_wait3A_55 : memref<96x128xf32, #tpu.memory_space<vmem>>)
    %dma_wait3A_59 = arith.constant 1 : i32
    %dma_wait3A_60 = arith.constant 0 : i32
    %dma_wait3A_61 = arith.constant 0 : i32
    %dma_wait3A_62 = tpu.memref_slice %arg9[%dma_wait3A_59, %dma_wait3A_60, %dma_wait3A_61] : memref<2x96x128xf32, #tpu.memory_space<vmem>> -> memref<1x96x128xf32, #tpu.memory_space<vmem>>
    %dma_wait3A_63 = tpu.memref_squeeze %dma_wait3A_62 : memref<1x96x128xf32, #tpu.memory_space<vmem>> -> memref<96x128xf32, #tpu.memory_space<vmem>>
    %dma_wait3A_64 = arith.constant 0 : i32
    %dma_wait3A_65 = arith.constant 0 : i32
    %dma_wait3A_66 = tpu.memref_slice %arg6[%dma_wait3A_64, %dma_wait3A_65] : memref<262176x128xf32, #tpu.memory_space<hbm>> -> memref<96x128xf32, #tpu.memory_space<hbm>>
    %dma_wait3A_67 = arith.constant 0 : i32
    %dma_wait3A_68 = arith.constant 0 : i32
    %dma_wait3A_69 = tpu.memref_slice %arg9[%dma_wait3A_59, %dma_wait3A_67, %dma_wait3A_68] : memref<2x96x128xf32, #tpu.memory_space<vmem>> -> memref<1x96x128xf32, #tpu.memory_space<vmem>>
    %dma_wait3A_70 = tpu.memref_squeeze %dma_wait3A_69 : memref<1x96x128xf32, #tpu.memory_space<vmem>> -> memref<96x128xf32, #tpu.memory_space<vmem>>
    %dma_wait3A_71 = arith.constant 0 : i32
    %dma_wait3A_72 = arith.constant 0 : i32
    %dma_wait3A_73 = tpu.memref_slice %arg6[%dma_wait3A_71, %dma_wait3A_72] : memref<262176x128xf32, #tpu.memory_space<hbm>> -> memref<96x128xf32, #tpu.memory_space<hbm>>
    tpu.wait_dma2 semaphore(%arg19 : memref<!tpu.dma_semaphore, #tpu.memory_space<semaphore_mem>>) src(%dma_wait3A_73 : memref<96x128xf32, #tpu.memory_space<hbm>>) dst(%dma_wait3A_70 : memref<96x128xf32, #tpu.memory_space<vmem>>)
    return
  }
}

</mosaic_0001>

<sc_bundles>
// kernel: kernel.3.cloned.1.call-start
scs
__scs_entry_jumppad:
0x0: {  	(pc) =	sbr.rel $0x88, $3  }
0x1: {  	(tag) =	ssettag $0x0;
	lr =	simm.s32 $0x1  }
0x2: {  	[smem:$0x3F9D] =	sst lr;
	_ =	strace $0xD0000000  }
0x3: {  	_ = 	snop  }
0x4: {  	_ = 	snop  }
0x5: {  	_ = 	snop  }
0x6: {  	_ = 	snop  }
0x7: {  	_ = 	snop  }
__scs_overlays_trampoline_lowered:
0x8: {  	[smem:$0x3FAC] =	sst s0  }
0x9: {  	[smem:$0x3FAD] =	sst s1  }
0xa: {  	[smem:$0x3FAE] =	sst s2  }
0xb: {  	[smem:$0x3FAF] =	sst s3  }
0xc: {  	[smem:$0x3FB0] =	sst s4  }
0xd: {  	[smem:$0x3FB1] =	sst s5  }
0xe: {  	[smem:$0x3FB2] =	sst s6  }
0xf: {  	[smem:$0x3FB3] =	sst s7  }
0x10: {  	[smem:$0x3FB4] =	sst s8  }
0x11: {  	[smem:$0x3FB5] =	sst s9;
	s0 =	simm.s32 @!p0 $0x0  }
0x12: {  	s1 =	sld [smem:$0x3F9B];
	s0 =	simm.s32 @p0 $0x1  }
0x13: {  	[smem:$0x3FB6] =	sst s0;
	s0 =	simm.s32 @!p1 $0x0  }
0x14: {  	s2 =	sld [smem:$0x3F9A];
	s0 =	simm.s32 @p1 $0x1  }
0x15: {  	[smem:$0x3FB7] =	sst s0;
	s0 =	simm.s32 @!p2 $0x0  }
0x16: {  	s3 =	sld [smem:$0x3FDB];
	s0 =	simm.s32 @p2 $0x1  }
0x17: {  	s4 =	simm.s32 $0x1BF5;
	[smem:$0x3FB9] =	sst s0  }
0x18: {  	s0 =	sld [smem:$0x3F9C];
	_ =	swait.ge [sflag:s4], $0x0  }
0x19: {  	s7 =	sld [smem:$0x3F9D]  }
0x1a: {  	s8 =	sadd.s32 $0xFFFFE003, lr  }
0x1b: {  	s9 =	sadd.s32 $0xFFFFFEF7, lr;
	s5 =	simm.s32 $0xFFFFFFFF;
	p2 =	slt.u32 s8, $0xFFFFF086  }
0x1c: {  	p1 =	slt.u32 s9, $0xF7A;
	s5 =	simm.s32 @!p2 $0x0  }
0x1d: {  	s5 =	simm.s32 @p1 $0x1;
	p0 =	seq.s32 s7, s2  }
0x1e: {  	s7 =	smul.u32 @!p0 $0xF7A, s2;
	p2 =	seq.s32 @!p0 s5, $0x0  }
0x1f: {  	s9 =	smul.u32 $0xF7A, s1;
	s8 =	simm.s32 @!p0 $0x1BF5;
	p2 =	por !p2, p0  }
0x20: {  	[sflag:s8] =	ssyncset.s32 @!p0 $0xFFFFF086;
	s6 =	sadd.s32 @!p0 s3, s7;
	s7 =	simm.s32 @!p0 $0x108  }
0x21: {  	s3 =	sadd.s32 s3, s9;
	s6 =	sadd.s32 @!p0 $0x88, s6;
	s7 =	simm.s32 @p2 $0x1082  }
0x22: {  	[simem:s7], [sflag:s8] =	dma.local @!p0 [hbm:s6], $0xF7A  }
0x23: {  	s9 =	sor.u32 $0xD0000000, s2;
	s6 =	simm.s32 $0x108;
	_ =	swait.ge @!p0 [sflag:s8], $0x0  }
0x24: {  	s3 =	sadd.s32 $0x88, s3;
	s6 =	simm.s32 @!p1 $0x1082;
	[sflag:s4] =	ssyncset.s32 $0xFFFFF086  }
0x25: {  	[simem:s6], [sflag:s4] =	dma.local [hbm:s3], $0xF7A  }
0x26: {  	[smem:$0x3F9D] =	sst s1;
	(tag) =	ssettag s2;
	_ =	strace s9  }
0x27: {  	s1 =	sld [smem:$0x3FAD]  }
0x28: {  	s2 =	sld [smem:$0x3FAE]  }
0x29: {  	s4 =	sld [smem:$0x3FB0]  }
0x2a: {  	p0 =	seq.s32 s5, $0x0;
	s5 =	sld [smem:$0x3FB1]  }
0x2b: {  	s6 =	sld [smem:$0x3FB2]  }
0x2c: {  	s7 =	sld [smem:$0x3FB3]  }
0x2d: {  	s3 =	simm.s32 $0x108;
	s8 =	sld [smem:$0x3FB4]  }
0x2e: {  	s3 =	simm.s32 @!p0 $0x1082;
	s9 =	sld [smem:$0x3FB5]  }
0x2f: {  	lr =	sadd.s32 s0, s3;
	s0 =	sld [smem:$0x3FAC]  }
0x30: {  	s3 =	sld [smem:$0x3FAF]  }
0x31: {  	[smem:$0x3FB8] =	sst s10  }
0x32: {  	s10 =	sld [smem:$0x3FB6];
	_ =	sdelay $0x3  }
0x33: {  	p0 =	seq.s32 s10, $0x1;
	s10 =	sld [smem:$0x3FB8];
	_ =	sdelay $0x3  }
0x34: {  	[smem:$0x3FB8] =	sst s10  }
0x35: {  	s10 =	sld [smem:$0x3FB7];
	_ =	sdelay $0x3  }
0x36: {  	p1 =	seq.s32 s10, $0x1;
	s10 =	sld [smem:$0x3FB8];
	_ =	sdelay $0x3  }
0x37: {  	[smem:$0x3FB8] =	sst s10  }
0x38: {  	s10 =	sld [smem:$0x3FB9]  }
0x39: {  	_ = 	snop;
	(pc) =	sbr.ind lr, $3  }
0x3a: {  	_ = 	snop  }
0x3b: {  	_ = 	snop  }
0x3c: {  	p2 =	seq.s32 s10, $0x1;
	s10 =	sld [smem:$0x3FB8]  }
0x3d: {  	_ =	shalt  }
0x3e: {  	_ =	shalt  }
0x3f: {  	_ =	shalt  }
0x40: {  	_ =	shalt  }
0x41: {  	_ =	shalt  }
0x42: {  	_ =	shalt  }
0x43: {  	_ =	shalt  }
0x44: {  	_ =	shalt  }
0x45: {  	_ =	shalt  }
0x46: {  	_ =	shalt  }
0x47: {  	_ =	shalt  }
0x48: {  	_ =	shalt  }
0x49: {  	_ =	shalt  }
0x4a: {  	_ =	shalt  }
0x4b: {  	_ =	shalt  }
0x4c: {  	_ =	shalt  }
0x4d: {  	_ =	shalt  }
0x4e: {  	_ =	shalt  }
0x4f: {  	_ =	shalt  }
0x50: {  	_ =	shalt  }
0x51: {  	_ =	shalt  }
0x52: {  	_ =	shalt  }
0x53: {  	_ =	shalt  }
0x54: {  	_ =	shalt  }
0x55: {  	_ =	shalt  }
0x56: {  	_ =	shalt  }
0x57: {  	_ =	shalt  }
0x58: {  	_ =	shalt  }
0x59: {  	_ =	shalt  }
0x5a: {  	_ =	shalt  }
0x5b: {  	_ =	shalt  }
0x5c: {  	_ =	shalt  }
0x5d: {  	_ =	shalt  }
0x5e: {  	_ =	shalt  }
0x5f: {  	_ =	shalt  }
0x60: {  	_ =	shalt  }
0x61: {  	_ =	shalt  }
0x62: {  	_ =	shalt  }
0x63: {  	_ =	shalt  }
0x64: {  	_ =	shalt  }
0x65: {  	_ =	shalt  }
0x66: {  	_ =	shalt  }
0x67: {  	_ =	shalt  }
0x68: {  	_ =	shalt  }
0x69: {  	_ =	shalt  }
0x6a: {  	_ =	shalt  }
0x6b: {  	_ =	shalt  }
0x6c: {  	_ =	shalt  }
0x6d: {  	_ =	shalt  }
0x6e: {  	_ =	shalt  }
0x6f: {  	_ =	shalt  }
0x70: {  	_ =	shalt  }
0x71: {  	_ =	shalt  }
0x72: {  	_ =	shalt  }
0x73: {  	_ =	shalt  }
0x74: {  	_ =	shalt  }
0x75: {  	_ =	shalt  }
0x76: {  	_ =	shalt  }
0x77: {  	_ =	shalt  }
0x78: {  	_ =	shalt  }
0x79: {  	_ =	shalt  }
0x7a: {  	_ =	shalt  }
0x7b: {  	_ =	shalt  }
0x7c: {  	_ =	shalt  }
0x7d: {  	_ =	shalt  }
0x7e: {  	_ =	shalt  }
0x7f: {  	_ =	shalt  }
0x80: {  	_ =	shalt  }
0x81: {  	_ =	shalt  }
0x82: {  	_ =	shalt  }
0x83: {  	_ =	shalt  }
0x84: {  	_ =	shalt  }
0x85: {  	_ =	shalt  }
0x86: {  	_ =	shalt  }
0x87: {  	_ =	shalt  }
.Lfunc_end0:
.L_simem_size_0:
called_computation_lowered:
.L_overlay_start_0:
0x88: {  	s2 =	sld [smem:$0x3FD9]  }
0x89: {  	s3 =	sld [smem:$0x3FFE];
	_ =	sdelay $0x1  }
0x8a: {  	s1 =	srdreg.scid  }
0x8b: {  	s0 =	sand.u32 $0x1, s1  }
0x8c: {  	s14 =	sshll.u32 s0, $0xA;
	s2 =	sadd.s32 s3, s2  }
0x8d: {  	s2 =	sadd.s32 s2, s14  }
0x8e: {  	[smem:$0x3FC4] =	sst s2  }
0x8f: {  	_ = 	snop  }
0x90: {  	s2 =	sld [smem:$0x3FD0];
	_ =	sdelay $0x2  }
0x91: {  	s4 =	simm.s32 $0xA;
	s5 =	simm.s32 $0x10;
	s15 =	sld [smem:$0x3FC9]  }
0x92: {  	[smem:s5], [sflag:s4] =	dma.local [hbm:s2], $0x1  }
0x93: {  	_ =	swait.eq [sflag:s4], $0x1  }
0x94: {  	[sflag:s4] =	ssyncset.done $0x0  }
0x95: {  	s16 =	sld [smem:$0x10];
	[sflag:s4] =	ssyncadd.s32 $0xFFFFFFFF  }
0x96: {  	s17 =	sld [smem:$0x11];
	(tm) =	ssettm $0x1  }
0x97: {  	s18 =	sld [smem:$0x3FFB];
	_ =	sdelay $0x3  }
0x98: {  	_ =	strace s18  }
0x99: {  	s5 =	sld [smem:$0x3FFC];
	_ =	sdelay $0x3  }
0x9a: {  	_ =	strace s5  }
0x9b: {  	s5 =	sld [smem:$0x3FFD];
	_ =	sdelay $0x3  }
0x9c: {  	_ =	strace s5  }
0x9d: {  	_ =	strace $0x8FFFFFFF  }
0x9e: {  	s19 =	sld [smem:$0x3FDB];
	_ =	sdelay $0x1  }
0x9f: {  	s6 =	simm.s32 $_scs_section_size  }
0xa0: {  	s7 =	simm.s32 $_size__tile_overlayer_lowered;
	s8 =	simm.s32 $_tile_overlayer_lowered  }
0xa1: {  	s22 =	simm.s32 $0x1BFF;
	s21 =	sshll.u32 s8, $0x1;
	s5 =	sadd.s32 s6, s19  }
0xa2: {  	s9 =	simm.s32 $0x0;
	s20 =	sshll.u32 s7, $0x1;
	s7 =	sadd.s32 s21, s5  }
0xa3: {  	[timem:s9], [sflag:s22] =	dma.local [hbm:s7], s20  }
0xa4: {  	_ =	swait.ge [sflag:s22], s20  }
0xa5: {  	s6 =	ssub.s32 $0x0, s20;
	[sflag:s22] =	ssyncset.done $0x0  }
0xa6: {  	[sflag:s22] =	ssyncadd.s32 s6;
	_ =	sdelay $0x1  }
0xa7: {  	s23 =	simm.s32 $0x1B8B  }
0xa8: {  	_ =	swait.ge [sflag:s23], $0x1  }
0xa9: {  	[sflag:s23] =	ssyncset.done $0x0  }
0xaa: {  	s25 =	simm.s32 $0x1B8E;
	s24 =	sld [smem:$0x3FFE];
	[sflag:s23] =	ssyncadd.s32 $0xFFFFFFFF  }
0xab: {  	s26 =	simm.s32 $execute0_lowered;
	[smem:$0x3FD2] =	sst s25  }
0xac: {  	s7 =	sshll.u32 s26, $0x1;
	_ =	strace $0x80000046;
	[dreg:$0x1] =	wrdreg $0xFFFFFFFF  }
0xad: {  	s28 =	simm.s32 $_size_execute0_lowered;
	s5 =	sadd.s32 s5, s7;
	[dreg:$0x0] =	wrdreg $0x0  }
0xae: {  	s7 =	sshll.u32 s28, $0x1;
	[dreg:$0x2] =	wrdreg s5  }
0xaf: {  	[dreg:$0x3] =	wrdreg s7  }
0xb0: {  	[dreg:$0x4] =	wrdreg $0xC0  }
0xb1: {  	_ =	task [dreg:s9], $0x5FFFF  }
0xb2: {  	[dreg:$0x1] =	wrdreg $0xFFFFFFFF  }
0xb3: {  	[dreg:$0x0] =	wrdreg $0x60  }
0xb4: {  	[dreg:$0x2] =	wrdreg s24  }
0xb5: {  	[dreg:$0x3] =	wrdreg s15  }
0xb6: {  	[dreg:$0x4] =	wrdreg s16  }
0xb7: {  	[dreg:$0x5] =	wrdreg s17  }
0xb8: {  	[dreg:$0x6] =	wrdreg $0x0  }
0xb9: {  	[dreg:$0x7] =	wrdreg $0x9  }
0xba: {  	_ =	task.clear_ibuf [dreg:s9], $0x8FFFF;
	_ =	strace $0x90000046  }
0xbb: {  	s29 =	simm.s32 $0x9;
	_ =	strace $0x80000048  }
0xbc: {  	_ =	swait.ge [sflag:s29], $0x1  }
0xbd: {  	[sflag:s29] =	ssyncadd.s32 $0xFFFFFFFF  }
0xbe: {  	_ =	strace $0x90000048  }
0xbf: {  	_ =	sfence  }
0xc0: {  	s30 =	sld [smem:$0x0];
	_ =	sdelay $0x2  }
0xc1: {  	s31 =	sshll.u32 s1, $0xD;
	s1 =	sshrl.u32 s1, $0x2  }
0xc2: {  	s3 =	sand.u32 $0x4000, s31;
	s1 =	sadd.s32 s1, s30  }
0xc3: {  	s0 =	sor.u32 s3, s0;
	s1 =	sshll.u32 s1, $0x11  }
0xc4: {  	s0 =	sor.u32 s1, s0  }
0xc5: {  	s0 =	sadd.s32 $0x8F2B, s0  }
0xc6: {  	[sflag:s0] =	ssyncadd.remote.s32 $0x1  }
0xc7: {  	_ =	sfence.sel $0xFFFF  }
0xc8: {  	[dreg:$0x0] =	wrdreg $0xFFFFFFFF;
	(pc) =	sbr.abs _section_cstart, $3  }
0xc9: {  	[dreg:$0x1] =	wrdreg $0xFFFFFFFF  }
0xca: {  	_ =	task.clear_ibuf [dreg:s9], $0x2FFFF;
	_ =	strace $0x9FFFFFFF  }
0xcb: {  	(tm) =	ssettm $0x7FFFFFFF  }
tec
execute0_lowered:
.L_overlay_start_1:
0x0: {  	(tag) =	ssettag $0x1  }
0x1: {  	s0 =	rddreg [dreg:$0x0]  }
0x2: {  	s1 =	rddreg [dreg:$0x1]  }
0x3: {  	s2 =	rddreg [dreg:$0x2]  }
0x4: {  	s3 =	rddreg [dreg:$0x3]  }
0x5: {  	s4 =	rddreg [dreg:$0x4];
	s6 =	simm.s32 $0x0;
	s5 =	srdreg.scid  }
0x6: {  	s14 =	stileid.u32;
	s19 =	simm.s32 $0xA;
	s20 =	simm.s32 $0x60  }
0x7: {  	s28 =	simm.s32 $0x3;
	s29 =	simm.s32 $0x5;
	s30 =	simm.s32 $0x6  }
0x8: {  	s31 =	simm.s32 $0x8;
	s18 =	simm.s32 $0x0;
	[smem:$0x7FF] =	sst s6  }
0x9: {  	s5 =	sand.u32 $0x1, s5;
	s7 =	sadd.s32 $0x27A00, s0;
	s8 =	smul.u32 $0x2800, s14  }
0xa: {  	s10 =	sshll.u32 s14, $0xE;
	s11 =	smul.u32 $0x50000, s14;
	p0 =	seq.s32 s14, $0xF  }
0xb: {  	_ =	strace $0x80000047;
	s9 =	ssub.s32 $0x2, s5;
	s5 =	sshll.u32 s5, $0xD  }
0xc: {  	s12 =	sadd.s32 s8, s0;
	s21 =	sshrl.u32 s9, $0x1;
	s5 =	sor.u32 s5, s10  }
0xd: {  	s22 =	sshrl.u32 s11, $0x2;
	s11 =	sadd.s32 $0x12C000, s4;
	s0 =	sadd.s32 $0x26000, s0  }
0xe: {  	s9 =	ssub.s32 s9, s21;
	s8 =	smin.u32 s5, $0x3DFE0;
	s5 =	sadd.s32 s22, s4  }
0xf: {  	s23 =	sadd.s32 $0x800, s12;
	[dreg:$0x7] =	wrdreg s0;
	s0 =	sshrl.u32 @p0 s11, $0x3  }
0x10: {  	s21 =	simm.s32 $0x13A00;
	s22 =	simm.s32 $0x19A00;
	[dreg:$0x6] =	wrdreg s23  }
0x11: {  	s24 =	sshrl.u32 s8, $0x3;
	s12 =	sadd.s32 $0xC0, s8;
	s13 =	sadd.s32 $0x60, s8  }
0x12: {  	s26 =	smax.u32 s9, $0x1;
	[dreg:$0xa] =	wrdreg s0;
	s0 =	sshll.u32 @!p0 s14, $0x6  }
0x13: {  	s17 =	sshrl.u32 @!p0 s5, $0x3;
	s23 =	simm.s32 $0x16A00;
	s5 =	simm.s32 $0x9  }
0x14: {  	s25 =	sadd.s32 s7, s24;
	[dreg:$0x9] =	wrdreg s26;
	s0 =	sor.u32 @!p0 $0x1C0A, s0  }
0x15: {  	s24 =	simm.s32 $0x1CA00;
	s26 =	simm.s32 $0x4;
	[dreg:$0x8] =	wrdreg s25  }
0x16: {  	[dreg:$0xb] =	wrdreg s0;
	s25 =	simm.s32 $0x2;
	s0 =	simm.s32 $0x7  }
.LBB2_1:
0x17: {  	s10 =	rddreg [dreg:$0x7]  }
0x18: {  	s9 =	simm.s32 @p0 $0x1FCA;
	s11 =	rddreg [dreg:$0xa]  }
0x19: {  	[spmem:s11], [sflag:s9] =	dma.local @p0 [hbm:s10], $0x1900  }
0x1a: {  	s9 =	simm.s32 @p0 $0xA  }
0x1b: {  	_ =	swait.ge @p0 [sflag:s9], $0x1900  }
0x1c: {  	[sflag:s9] =	ssyncset.done @p0 $0x0;
	s10 =	rddreg [dreg:$0xb]  }
0x1d: {  	[sflag:s9] =	ssyncadd.s32 @p0 $0xFFFFE700;
	s9 =	rddreg [dreg:$0x6]  }
0x1e: {  	[spmem:s17], [sflag:s10] =	dma.local @!p0 [hbm:s9], $0x2800  }
0x1f: {  	s9 =	simm.s32 @!p0 $0xA  }
0x20: {  	_ =	swait.ge @!p0 [sflag:s9], $0x2800  }
0x21: {  	[sflag:s9] =	ssyncset.done @!p0 $0x0  }
0x22: {  	s16 =	simm.s32 $0x13880;
	s15 =	rddreg [dreg:$0x8];
	[sflag:s9] =	ssyncadd.s32 @!p0 $0xFFFFD800  }
0x23: {  	[tilespmem:s16], [sflag:$0xA] =	stream.linear.gather [hbm4b:s15+s6], $0xC0, $0x38;
	[tilespmem:$0x1FA00] =	vst v63  }
0x24: {  	_ =	swait.ge [sflag:s19], $0xC0  }
0x25: {  	[sflag:s19] =	ssyncset.done $0x0  }
0x26: {  	[sflag:s19] =	ssyncadd.s32 $0xFFFFFF40  }
0x27: {  	s9 =	simm.s32 $0x0;
	[bflag:$0x0] =	sbarrier.arrive $0xFFFF  }
.LBB2_2:
0x28: {  	p1 =	seq.s32 s9, $0x0  }
0x29: {  	p2 =	seq.s32 @!p1 s9, $0x2A  }
0x2a: {  	s10 =	sand.u32 $0x1, s9;
	s14 =	simm.s32 @!p1 $0x1;
	p2 =	por p1, !p2  }
0x2b: {  	s15 =	sxor.u32 @p2 $0x1, s10;
	s11 =	smul.u32 @p2 $0xC0, s9;
	p3 =	seq.s32 @p2 s9, $0x0  }
0x2c: {  	_ =	swait.ge @!p1 [sflag:s14], $0xC0;
	s15 =	smul.u32 @p2 $0x300, s15;
	p3 =	por !p2, !p3  }
.Ltmp0:
0x2d: {  	[sflag:s14] =	ssyncset.done @!p1 $0x0;
	(pc) =	sbr.rel @!p3 .LBB2_4-.Ltmp0, $4  }
0x2e: {  	[sflag:s14] =	ssyncadd.s32 @!p1 $0xFFFFFF40;
	s14 =	sadd.s32 @p2 s11, s12  }
0x2f: {  	s15 =	sshrl.u32 @p2 s15, $0x2;
	s14 =	sshrl.u32 @p2 s14, $0x3  }
0x30: {  	s15 =	sadd.s32 @p2 $0x13880, s15;
	s16 =	sadd.s32 @p2 s7, s14;
	s14 =	simm.s32 @p2 $0x0  }
0x31: {  	[tilespmem:s15], [sflag:$0x1] =	stream.linear.gather @p2 [hbm4b:s16+s14], $0xC0, $0x38;
	[tilespmem:$0x1FA00] =	vst v63  }
0x32: {  	_ =	swait.ge [sflag:s30], $0x3000  }
0x33: {  	[sflag:s30] =	ssyncset.done $0x0  }
0x34: {  	[sflag:s30] =	ssyncadd.s32 $0xFFFFD000  }
0x35: {  	_ =	swait.ge [sflag:s31], $0x3000  }
0x36: {  	s11 =	simm.s32 @!p2 $0x1F80;
	[sflag:s31] =	ssyncset.done $0x0  }
0x37: {  	s14 =	smov.u32 s11;
	[sflag:s31] =	ssyncadd.s32 $0xFFFFD000  }
.LBB2_4:
0x38: {  	s10 =	smul.u32 $0x300, s10;
	_ =	sdelay $0x1  }
0x39: {  	s10 =	sshrl.u32 s10, $0x2  }
0x3a: {  	s16 =	sadd.s32 s8, s14;
	s11 =	sadd.s32 $0x13880, s10  }
0x3b: {  	[tilespmem:s21], [sflag:$0x2] =	stream.indirect.gather [spmem:s4], $0x80, s11, s20, $0xb8;
	[tilespmem:$0x1FA00] =	vst v63  }
0x3c: {  	s11 =	sshll.u32 s16, $0x4  }
0x3d: {  	s15 =	sadd.s32 s1, s11  }
0x3e: {  	[tilespmem:s22], [sflag:$0x4] =	stream.linear.gather [hbm4b:s15+s6], $0x3000, $0x38;
	[tilespmem:$0x1FA00] =	vst v63  }
0x3f: {  	s15 =	simm.s32 @!p1 $0x7  }
0x40: {  	_ =	swait.ge @!p1 [sflag:s15], $0x3000  }
0x41: {  	[sflag:s15] =	ssyncset.done @!p1 $0x0  }
0x42: {  	[sflag:s15] =	ssyncadd.s32 @!p1 $0xFFFFD000;
	s15 =	simm.s32 @!p1 $0x9  }
0x43: {  	_ =	swait.ge @!p1 [sflag:s15], $0x3000  }
0x44: {  	[sflag:s15] =	ssyncset.done @!p1 $0x0  }
0x45: {  	s10 =	sadd.s32 $0x138E0, s10;
	[sflag:s15] =	ssyncadd.s32 @!p1 $0xFFFFD000;
	s15 =	sadd.s32 s14, s13  }
0x46: {  	[tilespmem:s23], [sflag:$0x3] =	stream.indirect.gather [spmem:s4], $0x80, s10, s20, $0xb8;
	[tilespmem:$0x1FA00] =	vst v63  }
0x47: {  	s10 =	sshll.u32 s15, $0x4  }
0x48: {  	s15 =	simm.s32 $0x0;
	s16 =	sadd.s32 s1, s10  }
0x49: {  	[tilespmem:s24], [sflag:$0x5] =	stream.linear.gather [hbm4b:s16+s15], $0x3000, $0x38;
	[tilespmem:$0x1FA00] =	vst v63  }
0x4a: {  	_ =	swait.ge [sflag:s25], $0x3000  }
0x4b: {  	[sflag:s25] =	ssyncset.done $0x0  }
0x4c: {  	s16 =	sadd.s32 s3, s11;
	[sflag:s25] =	ssyncadd.s32 $0xFFFFD000  }
0x4d: {  	[hbm4b:s16+s15] =	stream.linear.scatter [tilespmem:s21], [sflag:$0x8], $0x3000, $0x38;
	[tilespmem:$0x1FA00] =	vst v63  }
0x4e: {  	_ =	swait.ge [sflag:s26], $0x3000  }
0x4f: {  	[sflag:s26] =	ssyncset.done $0x0  }
0x50: {  	s14 =	simm.s32 $0x0;
	s15 =	simm.s32 $0x800;
	[sflag:s26] =	ssyncadd.s32 $0xFFFFD000  }
.LBB2_5:
0x51: {  	p1 =	sne.s32 s15, $0xB800;
	v0 =	vld [tilespmem:s14+$0x13BF0]  }
0x52: {  	v1 =	vld [tilespmem:s14+$0x13A00]  }
0x53: {  	v2 =	vld [tilespmem:s14+$0x13A10]  }
0x54: {  	v3 =	vld [tilespmem:s14+$0x13A20]  }
0x55: {  	v4 =	vld [tilespmem:s14+$0x13A30]  }
0x56: {  	[tilespmem:s14+$0x19BF0] =	vst.add.f32.msk $0xffff, v0  }
0x57: {  	v0 =	vld [tilespmem:s14+$0x13A40]  }
0x58: {  	v5 =	vld [tilespmem:s14+$0x13A50]  }
0x59: {  	v6 =	vld [tilespmem:s14+$0x13A60]  }
0x5a: {  	v7 =	vld [tilespmem:s14+$0x13A70]  }
0x5b: {  	v8 =	vld [tilespmem:s14+$0x13A80]  }
0x5c: {  	v9 =	vld [tilespmem:s14+$0x13A90]  }
0x5d: {  	v10 =	vld [tilespmem:s14+$0x13AA0]  }
0x5e: {  	v11 =	vld [tilespmem:s14+$0x13AB0]  }
0x5f: {  	v12 =	vld [tilespmem:s14+$0x13AC0]  }
0x60: {  	v13 =	vld [tilespmem:s14+$0x13AD0]  }
0x61: {  	v14 =	vld [tilespmem:s14+$0x13AE0]  }
0x62: {  	v15 =	vld [tilespmem:s14+$0x13AF0]  }
0x63: {  	v16 =	vld [tilespmem:s14+$0x13B00]  }
0x64: {  	v17 =	vld [tilespmem:s14+$0x13B10]  }
0x65: {  	v18 =	vld [tilespmem:s14+$0x13B20]  }
0x66: {  	v19 =	vld [tilespmem:s14+$0x13B30]  }
0x67: {  	v20 =	vld [tilespmem:s14+$0x13B40]  }
0x68: {  	v21 =	vld [tilespmem:s14+$0x13B50]  }
0x69: {  	v22 =	vld [tilespmem:s14+$0x13B60]  }
0x6a: {  	v23 =	vld [tilespmem:s14+$0x13B70]  }
0x6b: {  	v24 =	vld [tilespmem:s14+$0x13B80]  }
0x6c: {  	v25 =	vld [tilespmem:s14+$0x13B90]  }
0x6d: {  	v26 =	vld [tilespmem:s14+$0x13BA0]  }
0x6e: {  	v27 =	vld [tilespmem:s14+$0x13BB0]  }
0x6f: {  	v28 =	vld [tilespmem:s14+$0x13BC0]  }
0x70: {  	v29 =	vld [tilespmem:s14+$0x13BD0]  }
0x71: {  	v30 =	vld [tilespmem:s14+$0x13BE0]  }
0x72: {  	[tilespmem:s14+$0x19A00] =	vst.add.f32.msk $0xffff, v1  }
0x73: {  	[tilespmem:s14+$0x19A10] =	vst.add.f32.msk $0xffff, v2  }
0x74: {  	[tilespmem:s14+$0x19A20] =	vst.add.f32.msk $0xffff, v3  }
0x75: {  	[tilespmem:s14+$0x19A30] =	vst.add.f32.msk $0xffff, v4  }
0x76: {  	[tilespmem:s14+$0x19A40] =	vst.add.f32.msk $0xffff, v0  }
0x77: {  	[tilespmem:s14+$0x19A50] =	vst.add.f32.msk $0xffff, v5  }
0x78: {  	[tilespmem:s14+$0x19A60] =	vst.add.f32.msk $0xffff, v6  }
0x79: {  	[tilespmem:s14+$0x19A70] =	vst.add.f32.msk $0xffff, v7  }
0x7a: {  	[tilespmem:s14+$0x19A80] =	vst.add.f32.msk $0xffff, v8  }
0x7b: {  	[tilespmem:s14+$0x19A90] =	vst.add.f32.msk $0xffff, v9  }
0x7c: {  	[tilespmem:s14+$0x19AA0] =	vst.add.f32.msk $0xffff, v10  }
0x7d: {  	[tilespmem:s14+$0x19AB0] =	vst.add.f32.msk $0xffff, v11  }
0x7e: {  	[tilespmem:s14+$0x19AC0] =	vst.add.f32.msk $0xffff, v12  }
0x7f: {  	[tilespmem:s14+$0x19AD0] =	vst.add.f32.msk $0xffff, v13  }
0x80: {  	[tilespmem:s14+$0x19AE0] =	vst.add.f32.msk $0xffff, v14  }
0x81: {  	[tilespmem:s14+$0x19AF0] =	vst.add.f32.msk $0xffff, v15  }
0x82: {  	[tilespmem:s14+$0x19B00] =	vst.add.f32.msk $0xffff, v16  }
0x83: {  	[tilespmem:s14+$0x19B10] =	vst.add.f32.msk $0xffff, v17  }
0x84: {  	[tilespmem:s14+$0x19B20] =	vst.add.f32.msk $0xffff, v18  }
0x85: {  	[tilespmem:s14+$0x19B30] =	vst.add.f32.msk $0xffff, v19  }
0x86: {  	[tilespmem:s14+$0x19B40] =	vst.add.f32.msk $0xffff, v20  }
0x87: {  	[tilespmem:s14+$0x19B50] =	vst.add.f32.msk $0xffff, v21  }
0x88: {  	[tilespmem:s14+$0x19B60] =	vst.add.f32.msk $0xffff, v22  }
0x89: {  	[tilespmem:s14+$0x19B70] =	vst.add.f32.msk $0xffff, v23  }
0x8a: {  	[tilespmem:s14+$0x19B80] =	vst.add.f32.msk $0xffff, v24  }
0x8b: {  	[tilespmem:s14+$0x19B90] =	vst.add.f32.msk $0xffff, v25  }
.Ltmp1:
0x8c: {  	[tilespmem:s14+$0x19BA0] =	vst.add.f32.msk $0xffff, v26;
	(pc) =	sbr.rel @p1 .LBB2_5-.Ltmp1, $4  }
0x8d: {  	[tilespmem:s14+$0x19BB0] =	vst.add.f32.msk $0xffff, v27  }
0x8e: {  	[tilespmem:s14+$0x19BC0] =	vst.add.f32.msk $0xffff, v28  }
0x8f: {  	[tilespmem:s14+$0x19BD0] =	vst.add.f32.msk $0xffff, v29  }
0x90: {  	[tilespmem:s14+$0x19BE0] =	vst.add.f32.msk $0xffff, v30;
	s14 =	sshra.s32 s15, $0x2;
	s15 =	sadd.s32 $0x800, s15  }
0x91: {  	v0 =	vld [tilespmem:s14+$0x13BF0]  }
0x92: {  	v1 =	vld [tilespmem:s14+$0x13A00]  }
0x93: {  	v2 =	vld [tilespmem:s14+$0x13A10]  }
0x94: {  	v3 =	vld [tilespmem:s14+$0x13A20]  }
0x95: {  	v4 =	vld [tilespmem:s14+$0x13A30]  }
0x96: {  	v63 =	vld [tilespmem:s14+$0x13A40]  }
0x97: {  	v5 =	vld [tilespmem:s14+$0x13A50]  }
0x98: {  	v6 =	vld [tilespmem:s14+$0x13A60]  }
0x99: {  	v7 =	vld [tilespmem:s14+$0x13A70]  }
0x9a: {  	v8 =	vld [tilespmem:s14+$0x13A80]  }
0x9b: {  	v9 =	vld [tilespmem:s14+$0x13A90]  }
0x9c: {  	v10 =	vld [tilespmem:s14+$0x13AA0]  }
0x9d: {  	v11 =	vld [tilespmem:s14+$0x13AB0]  }
0x9e: {  	v12 =	vld [tilespmem:s14+$0x13AC0]  }
0x9f: {  	v13 =	vld [tilespmem:s14+$0x13AD0]  }
0xa0: {  	v14 =	vld [tilespmem:s14+$0x13AE0]  }
0xa1: {  	v15 =	vld [tilespmem:s14+$0x13AF0]  }
0xa2: {  	v16 =	vld [tilespmem:s14+$0x13B00]  }
0xa3: {  	v17 =	vld [tilespmem:s14+$0x13B10]  }
0xa4: {  	v18 =	vld [tilespmem:s14+$0x13B20]  }
0xa5: {  	v19 =	vld [tilespmem:s14+$0x13B30]  }
0xa6: {  	v20 =	vld [tilespmem:s14+$0x13B40]  }
0xa7: {  	v21 =	vld [tilespmem:s14+$0x13B50]  }
0xa8: {  	v22 =	vld [tilespmem:s14+$0x13B60]  }
0xa9: {  	v23 =	vld [tilespmem:s14+$0x13B70]  }
0xaa: {  	v24 =	vld [tilespmem:s14+$0x13B80]  }
0xab: {  	v25 =	vld [tilespmem:s14+$0x13B90]  }
0xac: {  	v26 =	vld [tilespmem:s14+$0x13BA0]  }
0xad: {  	v27 =	vld [tilespmem:s14+$0x13BB0]  }
0xae: {  	v28 =	vld [tilespmem:s14+$0x13BC0]  }
0xaf: {  	v29 =	vld [tilespmem:s14+$0x13BD0]  }
0xb0: {  	v30 =	vld [tilespmem:s14+$0x13BE0]  }
0xb1: {  	[tilespmem:s14+$0x19BF0] =	vst.add.f32.msk $0xffff, v0  }
0xb2: {  	[tilespmem:s14+$0x19A00] =	vst.add.f32.msk $0xffff, v1  }
0xb3: {  	[tilespmem:s14+$0x19A10] =	vst.add.f32.msk $0xffff, v2  }
0xb4: {  	[tilespmem:s14+$0x19A20] =	vst.add.f32.msk $0xffff, v3  }
0xb5: {  	[tilespmem:s14+$0x19A30] =	vst.add.f32.msk $0xffff, v4  }
0xb6: {  	[tilespmem:s14+$0x19A40] =	vst.add.f32.msk $0xffff, v63  }
0xb7: {  	[tilespmem:s14+$0x19A50] =	vst.add.f32.msk $0xffff, v5  }
0xb8: {  	[tilespmem:s14+$0x19A60] =	vst.add.f32.msk $0xffff, v6  }
0xb9: {  	[tilespmem:s14+$0x19A70] =	vst.add.f32.msk $0xffff, v7  }
0xba: {  	[tilespmem:s14+$0x19A80] =	vst.add.f32.msk $0xffff, v8  }
0xbb: {  	[tilespmem:s14+$0x19A90] =	vst.add.f32.msk $0xffff, v9  }
0xbc: {  	[tilespmem:s14+$0x19AA0] =	vst.add.f32.msk $0xffff, v10  }
0xbd: {  	[tilespmem:s14+$0x19AB0] =	vst.add.f32.msk $0xffff, v11  }
0xbe: {  	[tilespmem:s14+$0x19AC0] =	vst.add.f32.msk $0xffff, v12  }
0xbf: {  	[tilespmem:s14+$0x19AD0] =	vst.add.f32.msk $0xffff, v13  }
0xc0: {  	[tilespmem:s14+$0x19AE0] =	vst.add.f32.msk $0xffff, v14  }
0xc1: {  	[tilespmem:s14+$0x19AF0] =	vst.add.f32.msk $0xffff, v15  }
0xc2: {  	[tilespmem:s14+$0x19B00] =	vst.add.f32.msk $0xffff, v16  }
0xc3: {  	[tilespmem:s14+$0x19B10] =	vst.add.f32.msk $0xffff, v17  }
0xc4: {  	[tilespmem:s14+$0x19B20] =	vst.add.f32.msk $0xffff, v18  }
0xc5: {  	[tilespmem:s14+$0x19B30] =	vst.add.f32.msk $0xffff, v19  }
0xc6: {  	[tilespmem:s14+$0x19B40] =	vst.add.f32.msk $0xffff, v20  }
0xc7: {  	[tilespmem:s14+$0x19B50] =	vst.add.f32.msk $0xffff, v21  }
0xc8: {  	[tilespmem:s14+$0x19B60] =	vst.add.f32.msk $0xffff, v22  }
0xc9: {  	[tilespmem:s14+$0x19B70] =	vst.add.f32.msk $0xffff, v23  }
0xca: {  	[tilespmem:s14+$0x19B80] =	vst.add.f32.msk $0xffff, v24  }
0xcb: {  	[tilespmem:s14+$0x19B90] =	vst.add.f32.msk $0xffff, v25  }
0xcc: {  	[tilespmem:s14+$0x19BA0] =	vst.add.f32.msk $0xffff, v26  }
0xcd: {  	[tilespmem:s14+$0x19BB0] =	vst.add.f32.msk $0xffff, v27  }
0xce: {  	[tilespmem:s14+$0x19BC0] =	vst.add.f32.msk $0xffff, v28  }
0xcf: {  	[tilespmem:s14+$0x19BD0] =	vst.add.f32.msk $0xffff, v29  }
0xd0: {  	s11 =	sadd.s32 s2, s11;
	s15 =	simm.s32 $0x0;
	[tilespmem:s14+$0x19BE0] =	vst.add.f32.msk $0xffff, v30  }
0xd1: {  	[hbm4b:s11+s15] =	stream.linear.scatter [tilespmem:s22], [sflag:$0x6], $0x3000, $0x38;
	[tilespmem:$0x1FA00] =	vst v63  }
0xd2: {  	_ =	swait.ge [sflag:s28], $0x3000  }
0xd3: {  	[sflag:s28] =	ssyncset.done $0x0  }
0xd4: {  	s16 =	sadd.s32 s3, s10;
	[sflag:s28] =	ssyncadd.s32 $0xFFFFD000  }
0xd5: {  	[hbm4b:s16+s15] =	stream.linear.scatter [tilespmem:s23], [sflag:$0x9], $0x3000, $0x38;
	[tilespmem:$0x1FA00] =	vst v63  }
0xd6: {  	_ =	swait.ge [sflag:s29], $0x3000  }
0xd7: {  	[sflag:s29] =	ssyncset.done $0x0  }
0xd8: {  	s14 =	simm.s32 $0x800;
	s11 =	simm.s32 $0x0;
	[sflag:s29] =	ssyncadd.s32 $0xFFFFD000  }
.LBB2_7:
0xd9: {  	p1 =	sne.s32 s14, $0xB800;
	v0 =	vld [tilespmem:s11+$0x16BF0]  }
0xda: {  	v1 =	vld [tilespmem:s11+$0x16A00]  }
0xdb: {  	v2 =	vld [tilespmem:s11+$0x16A10]  }
0xdc: {  	v3 =	vld [tilespmem:s11+$0x16A20]  }
0xdd: {  	v4 =	vld [tilespmem:s11+$0x16A30]  }
0xde: {  	[tilespmem:s11+$0x1CBF0] =	vst.add.f32.msk $0xffff, v0  }
0xdf: {  	v0 =	vld [tilespmem:s11+$0x16A40]  }
0xe0: {  	v5 =	vld [tilespmem:s11+$0x16A50]  }
0xe1: {  	v6 =	vld [tilespmem:s11+$0x16A60]  }
0xe2: {  	v7 =	vld [tilespmem:s11+$0x16A70]  }
0xe3: {  	v8 =	vld [tilespmem:s11+$0x16A80]  }
0xe4: {  	v9 =	vld [tilespmem:s11+$0x16A90]  }
0xe5: {  	v10 =	vld [tilespmem:s11+$0x16AA0]  }
0xe6: {  	v11 =	vld [tilespmem:s11+$0x16AB0]  }
0xe7: {  	v12 =	vld [tilespmem:s11+$0x16AC0]  }
0xe8: {  	v13 =	vld [tilespmem:s11+$0x16AD0]  }
0xe9: {  	v14 =	vld [tilespmem:s11+$0x16AE0]  }
0xea: {  	v15 =	vld [tilespmem:s11+$0x16AF0]  }
0xeb: {  	v16 =	vld [tilespmem:s11+$0x16B00]  }
0xec: {  	v17 =	vld [tilespmem:s11+$0x16B10]  }
0xed: {  	v18 =	vld [tilespmem:s11+$0x16B20]  }
0xee: {  	v19 =	vld [tilespmem:s11+$0x16B30]  }
0xef: {  	v20 =	vld [tilespmem:s11+$0x16B40]  }
0xf0: {  	v21 =	vld [tilespmem:s11+$0x16B50]  }
0xf1: {  	v22 =	vld [tilespmem:s11+$0x16B60]  }
0xf2: {  	v23 =	vld [tilespmem:s11+$0x16B70]  }
0xf3: {  	v24 =	vld [tilespmem:s11+$0x16B80]  }
0xf4: {  	v25 =	vld [tilespmem:s11+$0x16B90]  }
0xf5: {  	v26 =	vld [tilespmem:s11+$0x16BA0]  }
0xf6: {  	v27 =	vld [tilespmem:s11+$0x16BB0]  }
0xf7: {  	v28 =	vld [tilespmem:s11+$0x16BC0]  }
0xf8: {  	v29 =	vld [tilespmem:s11+$0x16BD0]  }
0xf9: {  	v30 =	vld [tilespmem:s11+$0x16BE0]  }
0xfa: {  	[tilespmem:s11+$0x1CA00] =	vst.add.f32.msk $0xffff, v1  }
0xfb: {  	[tilespmem:s11+$0x1CA10] =	vst.add.f32.msk $0xffff, v2  }
0xfc: {  	[tilespmem:s11+$0x1CA20] =	vst.add.f32.msk $0xffff, v3  }
0xfd: {  	[tilespmem:s11+$0x1CA30] =	vst.add.f32.msk $0xffff, v4  }
0xfe: {  	[tilespmem:s11+$0x1CA40] =	vst.add.f32.msk $0xffff, v0  }
0xff: {  	[tilespmem:s11+$0x1CA50] =	vst.add.f32.msk $0xffff, v5  }
0x100: {  	[tilespmem:s11+$0x1CA60] =	vst.add.f32.msk $0xffff, v6  }
0x101: {  	[tilespmem:s11+$0x1CA70] =	vst.add.f32.msk $0xffff, v7  }
0x102: {  	[tilespmem:s11+$0x1CA80] =	vst.add.f32.msk $0xffff, v8  }
0x103: {  	[tilespmem:s11+$0x1CA90] =	vst.add.f32.msk $0xffff, v9  }
0x104: {  	[tilespmem:s11+$0x1CAA0] =	vst.add.f32.msk $0xffff, v10  }
0x105: {  	[tilespmem:s11+$0x1CAB0] =	vst.add.f32.msk $0xffff, v11  }
0x106: {  	[tilespmem:s11+$0x1CAC0] =	vst.add.f32.msk $0xffff, v12  }
0x107: {  	[tilespmem:s11+$0x1CAD0] =	vst.add.f32.msk $0xffff, v13  }
0x108: {  	[tilespmem:s11+$0x1CAE0] =	vst.add.f32.msk $0xffff, v14  }
0x109: {  	[tilespmem:s11+$0x1CAF0] =	vst.add.f32.msk $0xffff, v15  }
0x10a: {  	[tilespmem:s11+$0x1CB00] =	vst.add.f32.msk $0xffff, v16  }
0x10b: {  	[tilespmem:s11+$0x1CB10] =	vst.add.f32.msk $0xffff, v17  }
0x10c: {  	[tilespmem:s11+$0x1CB20] =	vst.add.f32.msk $0xffff, v18  }
0x10d: {  	[tilespmem:s11+$0x1CB30] =	vst.add.f32.msk $0xffff, v19  }
0x10e: {  	[tilespmem:s11+$0x1CB40] =	vst.add.f32.msk $0xffff, v20  }
0x10f: {  	[tilespmem:s11+$0x1CB50] =	vst.add.f32.msk $0xffff, v21  }
0x110: {  	[tilespmem:s11+$0x1CB60] =	vst.add.f32.msk $0xffff, v22  }
0x111: {  	[tilespmem:s11+$0x1CB70] =	vst.add.f32.msk $0xffff, v23  }
0x112: {  	[tilespmem:s11+$0x1CB80] =	vst.add.f32.msk $0xffff, v24  }
0x113: {  	[tilespmem:s11+$0x1CB90] =	vst.add.f32.msk $0xffff, v25  }
.Ltmp2:
0x114: {  	[tilespmem:s11+$0x1CBA0] =	vst.add.f32.msk $0xffff, v26;
	(pc) =	sbr.rel @p1 .LBB2_7-.Ltmp2, $4  }
0x115: {  	[tilespmem:s11+$0x1CBB0] =	vst.add.f32.msk $0xffff, v27  }
0x116: {  	[tilespmem:s11+$0x1CBC0] =	vst.add.f32.msk $0xffff, v28  }
0x117: {  	[tilespmem:s11+$0x1CBD0] =	vst.add.f32.msk $0xffff, v29  }
0x118: {  	[tilespmem:s11+$0x1CBE0] =	vst.add.f32.msk $0xffff, v30;
	s11 =	sshra.s32 s14, $0x2;
	s14 =	sadd.s32 $0x800, s14  }
0x119: {  	v0 =	vld [tilespmem:s11+$0x16BF0]  }
0x11a: {  	v1 =	vld [tilespmem:s11+$0x16A00]  }
0x11b: {  	v2 =	vld [tilespmem:s11+$0x16A10]  }
0x11c: {  	v3 =	vld [tilespmem:s11+$0x16A20]  }
0x11d: {  	v4 =	vld [tilespmem:s11+$0x16A30]  }
0x11e: {  	v63 =	vld [tilespmem:s11+$0x16A40]  }
0x11f: {  	v5 =	vld [tilespmem:s11+$0x16A50]  }
0x120: {  	v6 =	vld [tilespmem:s11+$0x16A60]  }
0x121: {  	v7 =	vld [tilespmem:s11+$0x16A70]  }
0x122: {  	v8 =	vld [tilespmem:s11+$0x16A80]  }
0x123: {  	v9 =	vld [tilespmem:s11+$0x16A90]  }
0x124: {  	v10 =	vld [tilespmem:s11+$0x16AA0]  }
0x125: {  	v11 =	vld [tilespmem:s11+$0x16AB0]  }
0x126: {  	v12 =	vld [tilespmem:s11+$0x16AC0]  }
0x127: {  	v13 =	vld [tilespmem:s11+$0x16AD0]  }
0x128: {  	v14 =	vld [tilespmem:s11+$0x16AE0]  }
0x129: {  	v15 =	vld [tilespmem:s11+$0x16AF0]  }
0x12a: {  	v16 =	vld [tilespmem:s11+$0x16B00]  }
0x12b: {  	v17 =	vld [tilespmem:s11+$0x16B10]  }
0x12c: {  	v18 =	vld [tilespmem:s11+$0x16B20]  }
0x12d: {  	v19 =	vld [tilespmem:s11+$0x16B30]  }
0x12e: {  	v20 =	vld [tilespmem:s11+$0x16B40]  }
0x12f: {  	v21 =	vld [tilespmem:s11+$0x16B50]  }
0x130: {  	v22 =	vld [tilespmem:s11+$0x16B60]  }
0x131: {  	v23 =	vld [tilespmem:s11+$0x16B70]  }
0x132: {  	v24 =	vld [tilespmem:s11+$0x16B80]  }
0x133: {  	v25 =	vld [tilespmem:s11+$0x16B90]  }
0x134: {  	v26 =	vld [tilespmem:s11+$0x16BA0]  }
0x135: {  	v27 =	vld [tilespmem:s11+$0x16BB0]  }
0x136: {  	v28 =	vld [tilespmem:s11+$0x16BC0]  }
0x137: {  	v29 =	vld [tilespmem:s11+$0x16BD0]  }
0x138: {  	v30 =	vld [tilespmem:s11+$0x16BE0]  }
0x139: {  	[tilespmem:s11+$0x1CBF0] =	vst.add.f32.msk $0xffff, v0  }
0x13a: {  	[tilespmem:s11+$0x1CA00] =	vst.add.f32.msk $0xffff, v1  }
0x13b: {  	[tilespmem:s11+$0x1CA10] =	vst.add.f32.msk $0xffff, v2  }
0x13c: {  	[tilespmem:s11+$0x1CA20] =	vst.add.f32.msk $0xffff, v3  }
0x13d: {  	[tilespmem:s11+$0x1CA30] =	vst.add.f32.msk $0xffff, v4  }
0x13e: {  	[tilespmem:s11+$0x1CA40] =	vst.add.f32.msk $0xffff, v63  }
0x13f: {  	[tilespmem:s11+$0x1CA50] =	vst.add.f32.msk $0xffff, v5  }
0x140: {  	[tilespmem:s11+$0x1CA60] =	vst.add.f32.msk $0xffff, v6  }
0x141: {  	[tilespmem:s11+$0x1CA70] =	vst.add.f32.msk $0xffff, v7  }
0x142: {  	[tilespmem:s11+$0x1CA80] =	vst.add.f32.msk $0xffff, v8  }
0x143: {  	[tilespmem:s11+$0x1CA90] =	vst.add.f32.msk $0xffff, v9  }
0x144: {  	[tilespmem:s11+$0x1CAA0] =	vst.add.f32.msk $0xffff, v10  }
0x145: {  	[tilespmem:s11+$0x1CAB0] =	vst.add.f32.msk $0xffff, v11  }
0x146: {  	[tilespmem:s11+$0x1CAC0] =	vst.add.f32.msk $0xffff, v12  }
0x147: {  	[tilespmem:s11+$0x1CAD0] =	vst.add.f32.msk $0xffff, v13  }
0x148: {  	[tilespmem:s11+$0x1CAE0] =	vst.add.f32.msk $0xffff, v14  }
0x149: {  	[tilespmem:s11+$0x1CAF0] =	vst.add.f32.msk $0xffff, v15  }
0x14a: {  	[tilespmem:s11+$0x1CB00] =	vst.add.f32.msk $0xffff, v16  }
0x14b: {  	[tilespmem:s11+$0x1CB10] =	vst.add.f32.msk $0xffff, v17  }
0x14c: {  	[tilespmem:s11+$0x1CB20] =	vst.add.f32.msk $0xffff, v18  }
0x14d: {  	[tilespmem:s11+$0x1CB30] =	vst.add.f32.msk $0xffff, v19  }
0x14e: {  	[tilespmem:s11+$0x1CB40] =	vst.add.f32.msk $0xffff, v20  }
0x14f: {  	[tilespmem:s11+$0x1CB50] =	vst.add.f32.msk $0xffff, v21  }
0x150: {  	[tilespmem:s11+$0x1CB60] =	vst.add.f32.msk $0xffff, v22  }
0x151: {  	[tilespmem:s11+$0x1CB70] =	vst.add.f32.msk $0xffff, v23  }
0x152: {  	[tilespmem:s11+$0x1CB80] =	vst.add.f32.msk $0xffff, v24  }
0x153: {  	s9 =	sadd.s32 $0x1, s9;
	[tilespmem:s11+$0x1CB90] =	vst.add.f32.msk $0xffff, v25  }
0x154: {  	p1 =	sne.s32 s9, $0x2B;
	[tilespmem:s11+$0x1CBA0] =	vst.add.f32.msk $0xffff, v26  }
.Ltmp3:
0x155: {  	[tilespmem:s11+$0x1CBB0] =	vst.add.f32.msk $0xffff, v27;
	(pc) =	sbr.rel @p1 .LBB2_2-.Ltmp3, $4  }
0x156: {  	[tilespmem:s11+$0x1CBC0] =	vst.add.f32.msk $0xffff, v28  }
0x157: {  	[tilespmem:s11+$0x1CBD0] =	vst.add.f32.msk $0xffff, v29  }
0x158: {  	s10 =	sadd.s32 s2, s10;
	[tilespmem:s11+$0x1CBE0] =	vst.add.f32.msk $0xffff, v30  }
0x159: {  	[hbm4b:s10+s6] =	stream.linear.scatter [tilespmem:s24], [sflag:$0x7], $0x3000, $0x38;
	[tilespmem:$0x1FA00] =	vst v63  }
0x15a: {  	_ =	swait.ge [sflag:s30], $0x3000  }
0x15b: {  	[sflag:s30] =	ssyncset.done $0x0  }
0x15c: {  	[sflag:s30] =	ssyncadd.s32 $0xFFFFD000  }
0x15d: {  	_ =	swait.ge [sflag:s31], $0x3000  }
0x15e: {  	[sflag:s31] =	ssyncset.done $0x0  }
0x15f: {  	[sflag:s31] =	ssyncadd.s32 $0xFFFFD000  }
0x160: {  	_ =	swait.ge [sflag:s0], $0x3000  }
0x161: {  	[sflag:s0] =	ssyncset.done $0x0  }
0x162: {  	[sflag:s0] =	ssyncadd.s32 $0xFFFFD000  }
0x163: {  	_ =	swait.ge [sflag:s5], $0x3000  }
0x164: {  	s18 =	sadd.s32 $0x1, s18;
	s9 =	rddreg [dreg:$0x9]  }
0x165: {  	p1 =	sne.s32 s18, s9  }
.Ltmp4:
0x166: {  	_ = 	snop;
	(pc) =	sbr.rel @p1 .LBB2_1-.Ltmp4, $3  }
0x167: {  	_ =	sdelay $0x1  }
0x168: {  	[sflag:s5] =	ssyncset.done $0x0  }
0x169: {  	[sflag:s5] =	ssyncadd.s32 $0xFFFFD000  }
0x16a: {  	_ =	sfence.sel $0x180000  }
0x16b: {  	[bflag:$0x0] =	sbarrier.arrive $0xFFFF  }
0x16c: {  	_ =	strace $0x90000047  }
0x16d: {  	s0 =	stileid.u32;
	[bflag:$0x2] =	sbarrier.arrive $0xFFFF  }
0x16e: {  	p0 =	sne.s32 s0, $0x0;
	s0 =	rddreg [dreg:$0x5]  }
0x16f: {  	s0 =	sadd.s32 @!p0 $0x100000, s0  }
0x170: {  	[sflag:s0] =	ssyncadd.tile.s32 @!p0 $0x1;
	_ =	shalt  }
.Lfunc_end2:
_tile_overlayer_lowered:
.L_overlay_start_2:
0x171: {  	(tag) =	ssettag $0x2  }
0x172: {  	s0 =	rddreg [dreg:$0x0];
	s2 =	stileid.u32  }
0x173: {  	s1 =	rddreg [dreg:$0x1];
	p0 =	sne.s32 s2, $0x0  }
0x174: {  	s3 =	rddreg [dreg:$0x2];
	[bflag:$0x3] =	sbarrier.arrive $0xFFFF;
	s2 =	simm.s32 @!p0 $0x1C0A  }
0x175: {  	[timem:s3], [sflag:s2] =	dma.local @!p0 [hbm:s0], s1  }
0x176: {  	s0 =	simm.s32 @!p0 $0xA  }
0x177: {  	_ =	swait.ge @!p0 [sflag:s0], s1  }
0x178: {  	s1 =	ssub.s32 @!p0 $0x0, s1;
	[sflag:s0] =	ssyncset.done @!p0 $0x0  }
0x179: {  	[sflag:s0] =	ssyncadd.s32 @!p0 s1  }
0x17a: {  	[bflag:$0x3] =	sbarrier.arrive $0xFFFF  }
0x17b: {  	_ =	shalt  }

</sc_bundles>
